<compile_context>
chip_gen: v7x
topology: tpu7x:2x2x1
jax: 0.10.2.dev20260603
libtpu: 0.0.44.dev20260713+nightly
codegen_flags: <defaults>
</compile_context>

<pallas_src>
import functools

import jax
import jax.numpy as jnp
import numpy as np
from jax import lax
from jax.experimental import pallas as pl
from jax.experimental.pallas import tpu as pltpu
from jax.experimental.pallas import tpu_sc as plsc

_NUM_EMB = 256
_IN_CH = 96
_MIN_SCALE = 2.5
_MAX_SCALE = 3.5

_B = 16
_HW = 56 * 56
_SP = _B * _HW
_N = _SP * _IN_CH

_LANES = 16
_NCHG = _IN_CH // _LANES
_NW = 32
_RPW = _SP // _NW
_RCH = 56
_NCHUNK = _RPW // _RCH
_NPAIR = _NCHUNK // 2


def _stats_body(x_ref, scale_ref, s_ref):
    xv = x_ref[...]
    s1 = jnp.sum(xv)
    s2 = jnp.sum(xv * xv)
    mx = jnp.max(jnp.abs(xv))
    n = jnp.float32(_N)
    var = (s2 - s1 * (s1 / n)) / (n - 1.0)
    std = jnp.sqrt(var)
    min_s = jnp.float32(_MIN_SCALE * 0.9) + (2.0 * std) * jnp.float32(1.0 - 0.9)
    max_s = jnp.float32(_MAX_SCALE * 0.9) + mx * jnp.float32(1.0 - 0.9)
    s_ref[...] = jnp.minimum(jnp.maximum(scale_ref[...], min_s), max_s)


_stats = pl.pallas_call(
    _stats_body,
    out_shape=jax.ShapeDtypeStruct((1, _IN_CH), jnp.float32),
    compiler_params=pltpu.CompilerParams(vmem_limit_bytes=60000 * 1024),
)


def _remap_body(x_hbm, s_hbm, tab_hbm, out_hbm, tab_v, s_v, in_v0, in_v1,
                out_v0, out_v1, sem_in0, sem_in1, sem_out0, sem_out1):
    in_bufs = (in_v0, in_v1)
    out_bufs = (out_v0, out_v1)
    sems_in = (sem_in0, sem_in1)
    sems_out = (sem_out0, sem_out1)
    wid = lax.axis_index("s") * 2 + lax.axis_index("c")
    row0 = wid * _RPW
    pltpu.sync_copy(tab_hbm, tab_v)
    pltpu.sync_copy(s_hbm, s_v)

    svs = [s_v[pl.ds(_LANES * j, _LANES)] for j in range(_NCHG)]
    lane = lax.iota(jnp.int32, _LANES).astype(jnp.float32)
    offvs = [
        (lane + jnp.float32(_LANES * j)) * jnp.float32(_NUM_EMB)
        for j in range(_NCHG)
    ]

    def start_in(ch, buf):
        start = pl.multiple_of(row0 + ch * _RCH, 8)
        pltpu.async_copy(
            x_hbm.at[pl.ds(start, _RCH)], in_bufs[buf], sems_in[buf])

    def start_out(ch, buf):
        start = pl.multiple_of(row0 + ch * _RCH, 8)
        pltpu.async_copy(
            out_bufs[buf], out_hbm.at[pl.ds(start, _RCH)], sems_out[buf])

    def wait_in(buf):
        pltpu.make_async_copy(
            x_hbm.at[pl.ds(0, _RCH)], in_bufs[buf], sems_in[buf]).wait()

    def wait_out(buf):
        pltpu.make_async_copy(
            out_bufs[buf], out_hbm.at[pl.ds(0, _RCH)], sems_out[buf]).wait()

    def compute(buf):
        in_v = in_bufs[buf]
        out_v = out_bufs[buf]

        @plsc.parallel_loop(0, _RCH, 1, unroll=1)
        def _(r):
            for j in range(_NCHG):
                sv = svs[j]
                xv = in_v[r, pl.ds(_LANES * j, _LANES)]
                xc = jnp.clip(xv, -sv, sv)
                t0 = xc / sv
                t = ((t0 + 1.0) * 0.5) * 255.0 + offvs[j]
                li = t.astype(jnp.int32)
                lf = li.astype(jnp.float32)
                frac = t - lf
                ui = li + (t > lf).astype(jnp.int32)
                lv = plsc.load_gather(tab_v, [li])
                uv = plsc.load_gather(tab_v, [ui])
                out_v[r, pl.ds(_LANES * j, _LANES)] = uv + frac * (lv - uv)

    start_in(0, 0)

    def pair(k, carry):
        ch0 = 2 * k
        start_in(ch0 + 1, 1)
        wait_in(0)

        @pl.when(k > 0)
        def _():
            wait_out(0)

        compute(0)
        start_out(ch0, 0)

        @pl.when(k < _NPAIR - 1)
        def _():
            start_in(ch0 + 2, 0)

        wait_in(1)

        @pl.when(k > 0)
        def _():
            wait_out(1)

        compute(1)
        start_out(ch0 + 1, 1)
        return carry

    lax.fori_loop(0, _NPAIR, pair, None)
    wait_out(0)
    wait_out(1)


@functools.cache
def _build_remap():
    mesh = plsc.VectorSubcoreMesh(core_axis_name="c", subcore_axis_name="s")
    return pl.kernel(
        _remap_body,
        out_type=jax.ShapeDtypeStruct((_SP, _IN_CH), jnp.float32),
        mesh=mesh,
        compiler_params=pltpu.CompilerParams(needs_layout_passes=False),
        scratch_types=[
            pltpu.VMEM((_NUM_EMB * _IN_CH,), jnp.float32),
            pltpu.VMEM((_IN_CH,), jnp.float32),
            pltpu.VMEM((_RCH, _IN_CH), jnp.float32),
            pltpu.VMEM((_RCH, _IN_CH), jnp.float32),
            pltpu.VMEM((_RCH, _IN_CH), jnp.float32),
            pltpu.VMEM((_RCH, _IN_CH), jnp.float32),
            pltpu.SemaphoreType.DMA,
            pltpu.SemaphoreType.DMA,
            pltpu.SemaphoreType.DMA,
            pltpu.SemaphoreType.DMA,
        ],
    )


def kernel(x, scale, table):
    xt = x.transpose(0, 2, 3, 1).reshape(_SP, _IN_CH)
    s = _stats(xt, scale.reshape(1, _IN_CH))
    _remap = _build_remap()
    out = _remap(xt, s.reshape(_IN_CH), table.reshape(-1))
    return out.reshape(_B, 56, 56, _IN_CH).transpose(0, 3, 1, 2)

# --- scband reference (transcript-rebuilt; emitter-appended) ---
"""Pipeline reference for scband-remap-layer-61684320305198 (READ-ONLY COPY).

The authoritative reference and input builder live on the scoring server;
editing this copy changes nothing except your own understanding.
"""

import jax, jax.numpy as jnp
import numpy as np

NUM_EMB = 256
IN_CH = 96
MIN_SCALE = 2.5
MAX_SCALE = 3.5
INIT_SCALE = 5.0

@jax.custom_vjp
def scale_clip(scale, min_s, max_s):
    return jnp.clip(scale, min_s, max_s)

def _sc_fwd(scale, min_s, max_s):
    return jnp.clip(scale, min_s, max_s), (scale, min_s, max_s)

def _sc_bwd(res, g):
    scale, min_s, max_s = res
    penalty = jnp.maximum(scale - max_s, 0.0) + jnp.minimum(scale - min_s, 0.0)
    return (penalty * g, jnp.zeros_like(min_s), jnp.zeros_like(max_s))

scale_clip.defvjp(_sc_fwd, _sc_bwd)

@jax.custom_vjp
def clamp_st(x, scale):
    return jnp.clip(x, -scale, scale)

def _cl_fwd(x, scale):
    return jnp.clip(x, -scale, scale), (x, scale)

def _cl_bwd(res, g):
    x, scale = res
    mask = (jnp.abs(x / scale) <= 1.0).astype(g.dtype)
    grad_scale_full = (1.0 - mask) * g * jnp.sign(x)
    if scale.shape[1] == 1:
        gs = jnp.mean(grad_scale_full).reshape(scale.shape)
    else:
        gs = jnp.mean(grad_scale_full, axis=(0, 2, 3)).reshape(scale.shape)
    return (g, gs)

clamp_st.defvjp(_cl_fwd, _cl_bwd)

def _forward(x, scale, table):
    # update_min_max: momentum 0.9 on python-float initial min/max scales
    min_s = MIN_SCALE * 0.9 + 2.0 * jnp.std(x, ddof=1) * (1.0 - 0.9)
    max_s = MAX_SCALE * 0.9 + jnp.max(jnp.abs(x)) * (1.0 - 0.9)
    s = scale_clip(scale, min_s, max_s)
    # signed path: straight-through clamp, then map to [0, 1]
    out_01 = (clamp_st(x, s) / s + 1.0) / 2.0
    out3 = out_01 * (NUM_EMB - 1)
    idx_offset = (jnp.arange(IN_CH).reshape(1, IN_CH, 1, 1) * NUM_EMB).astype(x.dtype)
    out4 = out3 + idx_offset
    lower_1 = jnp.floor(out4)
    upper_1 = jnp.ceil(out4)
    lower_val = jnp.take(table, lower_1.astype(jnp.int32), axis=0).squeeze(-1)
    upper_val = jnp.take(table, upper_1.astype(jnp.int32), axis=0).squeeze(-1)
    diff_lower1 = out4 - lower_1
    diff_upper1 = 1.0 - diff_lower1
    return diff_lower1 * lower_val + diff_upper1 * upper_val

def setup_inputs(seed: int = 0):
    key = jax.random.key(seed)
    k1, k2 = jax.random.split(key)
    x = jax.random.normal(k1, (16, 96, 56, 56), dtype=jnp.float32)
    scale = INIT_SCALE * jnp.ones((1, IN_CH, 1, 1), dtype=jnp.float32)
    table = jax.random.normal(k2, (NUM_EMB * IN_CH, 1), dtype=jnp.float32)
    return {"x": x, "scale": scale, "table": table}

def reference(x, scale, table):
    return _forward(x, scale, table)

if __name__ == "__main__":
    import jax
    _d = setup_inputs()
    print(jax.jit(kernel)(*tuple(_d.values())))

</pallas_src>

<mosaic_0001>
#map = affine_map<(d0, d1) -> (0, 0)>
#map1 = affine_map<(d0, d1) -> (0)>
module attributes {stable_mosaic.version = 14 : i64} {
  func.func @_remap_body(%arg0: i32, %arg1: i32, %arg2: memref<50176x96xf32, #tpu.memory_space<hbm>>, %arg3: memref<96xf32, #tpu.memory_space<hbm>>, %arg4: memref<24576xf32, #tpu.memory_space<hbm>>, %arg5: memref<50176x96xf32, #tpu.memory_space<hbm>>, %arg6: memref<24576xf32, #tpu.memory_space<vmem>>, %arg7: memref<96xf32, #tpu.memory_space<vmem>>, %arg8: memref<56x96xf32, #tpu.memory_space<vmem>>, %arg9: memref<56x96xf32, #tpu.memory_space<vmem>>, %arg10: memref<56x96xf32, #tpu.memory_space<vmem>>, %arg11: memref<56x96xf32, #tpu.memory_space<vmem>>, %arg12: memref<!tpu.dma_semaphore, #tpu.memory_space<semaphore_mem>>, %arg13: memref<!tpu.dma_semaphore, #tpu.memory_space<semaphore_mem>>, %arg14: memref<!tpu.dma_semaphore, #tpu.memory_space<semaphore_mem>>, %arg15: memref<!tpu.dma_semaphore, #tpu.memory_space<semaphore_mem>>) attributes {dimension_semantics = [#tpu.dimension_semantics<core_parallel>, #tpu.dimension_semantics<subcore_parallel>], iteration_bounds = array<i64: 2, 16>, scalar_prefetch = 0 : i64, scratch_operands = 10 : i64, tpu.core_type = #tpu.core_type<sc_vector_subcore>, window_params = [{transform_indices = #map}, {transform_indices = #map1}, {transform_indices = #map1}, {transform_indices = #map}]} {
    %mul3A = arith.constant 2 : i32
    %mul3A_0 = arith.muli %arg1, %mul3A : i32
    %add3A = arith.addi %mul3A_0, %arg0 : i32
    %mul3A_1 = arith.constant 1568 : i32
    %mul3A_2 = arith.muli %add3A, %mul3A_1 : i32
    "tpu.region"() ({
      %run_scoped3A = tpu.sem_alloc : memref<!tpu.dma_semaphore, #tpu.memory_space<semaphore_mem>>
      tpu.enqueue_dma source(%arg4 : memref<24576xf32, #tpu.memory_space<hbm>>) target(%arg6 : memref<24576xf32, #tpu.memory_space<vmem>>) target_semaphore(%run_scoped3A : memref<!tpu.dma_semaphore, #tpu.memory_space<semaphore_mem>>)
      tpu.wait_dma2 semaphore(%run_scoped3A : memref<!tpu.dma_semaphore, #tpu.memory_space<semaphore_mem>>) src(%arg4 : memref<24576xf32, #tpu.memory_space<hbm>>) dst(%arg6 : memref<24576xf32, #tpu.memory_space<vmem>>)
      tpu.yield
    }) : () -> ()
    "tpu.region"() ({
      %run_scoped3A = tpu.sem_alloc : memref<!tpu.dma_semaphore, #tpu.memory_space<semaphore_mem>>
      tpu.enqueue_dma source(%arg3 : memref<96xf32, #tpu.memory_space<hbm>>) target(%arg7 : memref<96xf32, #tpu.memory_space<vmem>>) target_semaphore(%run_scoped3A : memref<!tpu.dma_semaphore, #tpu.memory_space<semaphore_mem>>)
      tpu.wait_dma2 semaphore(%run_scoped3A : memref<!tpu.dma_semaphore, #tpu.memory_space<semaphore_mem>>) src(%arg3 : memref<96xf32, #tpu.memory_space<hbm>>) dst(%arg7 : memref<96xf32, #tpu.memory_space<vmem>>)
      tpu.yield
    }) : () -> ()
    %get3A = arith.constant 0 : index
    %get3A_3 = tpu.vector_load %arg7[%get3A] {strides = array<i32>} : memref<96xf32, #tpu.memory_space<vmem>>, vector<16xf32>,
    %get3A_4 = arith.constant 16 : index
    %get3A_5 = tpu.vector_load %arg7[%get3A_4] {strides = array<i32>} : memref<96xf32, #tpu.memory_space<vmem>>, vector<16xf32>,
    %get3A_6 = arith.constant 32 : index
    %get3A_7 = tpu.vector_load %arg7[%get3A_6] {strides = array<i32>} : memref<96xf32, #tpu.memory_space<vmem>>, vector<16xf32>,
    %get3A_8 = arith.constant 48 : index
    %get3A_9 = tpu.vector_load %arg7[%get3A_8] {strides = array<i32>} : memref<96xf32, #tpu.memory_space<vmem>>, vector<16xf32>,
    %get3A_10 = arith.constant 64 : index
    %get3A_11 = tpu.vector_load %arg7[%get3A_10] {strides = array<i32>} : memref<96xf32, #tpu.memory_space<vmem>>, vector<16xf32>,
    %get3A_12 = arith.constant 80 : index
    %get3A_13 = tpu.vector_load %arg7[%get3A_12] {strides = array<i32>} : memref<96xf32, #tpu.memory_space<vmem>>, vector<16xf32>,
    %iota3A = tpu.iota {dimensions = array<i32: 0>} : vector<16xi32>
    %convert_element_type3A = arith.sitofp %iota3A : vector<16xi32> to vector<16xf32>
    %add3A_14 = arith.constant 0.000000e+00 : f32
    %add3A_15 = vector.broadcast %add3A_14 : f32 to vector<16xf32>
    %add3A_16 = arith.addf %convert_element_type3A, %add3A_15 : vector<16xf32>
    %mul3A_17 = arith.constant 2.560000e+02 : f32
    %mul3A_18 = vector.broadcast %mul3A_17 : f32 to vector<16xf32>
    %mul3A_19 = arith.mulf %add3A_16, %mul3A_18 : vector<16xf32>
    %add3A_20 = arith.constant 1.600000e+01 : f32
    %add3A_21 = vector.broadcast %add3A_20 : f32 to vector<16xf32>
    %add3A_22 = arith.addf %convert_element_type3A, %add3A_21 : vector<16xf32>
    %mul3A_23 = arith.constant 2.560000e+02 : f32
    %mul3A_24 = vector.broadcast %mul3A_23 : f32 to vector<16xf32>
    %mul3A_25 = arith.mulf %add3A_22, %mul3A_24 : vector<16xf32>
    %add3A_26 = arith.constant 3.200000e+01 : f32
    %add3A_27 = vector.broadcast %add3A_26 : f32 to vector<16xf32>
    %add3A_28 = arith.addf %convert_element_type3A, %add3A_27 : vector<16xf32>
    %mul3A_29 = arith.constant 2.560000e+02 : f32
    %mul3A_30 = vector.broadcast %mul3A_29 : f32 to vector<16xf32>
    %mul3A_31 = arith.mulf %add3A_28, %mul3A_30 : vector<16xf32>
    %add3A_32 = arith.constant 4.800000e+01 : f32
    %add3A_33 = vector.broadcast %add3A_32 : f32 to vector<16xf32>
    %add3A_34 = arith.addf %convert_element_type3A, %add3A_33 : vector<16xf32>
    %mul3A_35 = arith.constant 2.560000e+02 : f32
    %mul3A_36 = vector.broadcast %mul3A_35 : f32 to vector<16xf32>
    %mul3A_37 = arith.mulf %add3A_34, %mul3A_36 : vector<16xf32>
    %add3A_38 = arith.constant 6.400000e+01 : f32
    %add3A_39 = vector.broadcast %add3A_38 : f32 to vector<16xf32>
    %add3A_40 = arith.addf %convert_element_type3A, %add3A_39 : vector<16xf32>
    %mul3A_41 = arith.constant 2.560000e+02 : f32
    %mul3A_42 = vector.broadcast %mul3A_41 : f32 to vector<16xf32>
    %mul3A_43 = arith.mulf %add3A_40, %mul3A_42 : vector<16xf32>
    %add3A_44 = arith.constant 8.000000e+01 : f32
    %add3A_45 = vector.broadcast %add3A_44 : f32 to vector<16xf32>
    %add3A_46 = arith.addf %convert_element_type3A, %add3A_45 : vector<16xf32>
    %mul3A_47 = arith.constant 2.560000e+02 : f32
    %mul3A_48 = vector.broadcast %mul3A_47 : f32 to vector<16xf32>
    %mul3A_49 = arith.mulf %add3A_46, %mul3A_48 : vector<16xf32>
    %add3A_50 = arith.constant 0 : i32
    %add3A_51 = arith.addi %mul3A_2, %add3A_50 : i32
    %multiple_of3A = tpu.assume_multiple %add3A_51, 8 : i32
    %dma_start3A = arith.constant 0 : i32
    %dma_start3A_52 = tpu.memref_slice %arg2[%multiple_of3A, %dma_start3A] : memref<50176x96xf32, #tpu.memory_space<hbm>> -> memref<56x96xf32, #tpu.memory_space<hbm>>
    %dma_start3A_53 = arith.constant 0 : i32
    %dma_start3A_54 = tpu.memref_slice %arg2[%multiple_of3A, %dma_start3A_53] : memref<50176x96xf32, #tpu.memory_space<hbm>> -> memref<56x96xf32, #tpu.memory_space<hbm>>
    tpu.enqueue_dma source(%dma_start3A_54 : memref<56x96xf32, #tpu.memory_space<hbm>>) target(%arg8 : memref<56x96xf32, #tpu.memory_space<vmem>>) target_semaphore(%arg12 : memref<!tpu.dma_semaphore, #tpu.memory_space<semaphore_mem>>)
    %scan3A = arith.constant 0 : i32
    %scan3A_55 = arith.constant 14 : i32
    %scan3A_56 = arith.addi %scan3A, %scan3A_55 : i32
    %scan3A_57 = arith.constant 1 : i32
    scf.for %scan3A_70 = %scan3A to %scan3A_56 step %scan3A_57  : i32 {
      %mul3A_71 = arith.constant 2 : i32
      %mul3A_72 = arith.muli %mul3A_71, %scan3A_70 : i32
      %add3A_73 = arith.constant 1 : i32
      %add3A_74 = arith.addi %mul3A_72, %add3A_73 : i32
      %mul3A_75 = arith.constant 56 : i32
      %mul3A_76 = arith.muli %add3A_74, %mul3A_75 : i32
      %add3A_77 = arith.addi %mul3A_2, %mul3A_76 : i32
      %multiple_of3A_78 = tpu.assume_multiple %add3A_77, 8 : i32
      %dma_start3A_79 = arith.constant 0 : i32
      %dma_start3A_80 = tpu.memref_slice %arg2[%multiple_of3A_78, %dma_start3A_79] : memref<50176x96xf32, #tpu.memory_space<hbm>> -> memref<56x96xf32, #tpu.memory_space<hbm>>
      %dma_start3A_81 = arith.constant 0 : i32
      %dma_start3A_82 = tpu.memref_slice %arg2[%multiple_of3A_78, %dma_start3A_81] : memref<50176x96xf32, #tpu.memory_space<hbm>> -> memref<56x96xf32, #tpu.memory_space<hbm>>
      tpu.enqueue_dma source(%dma_start3A_82 : memref<56x96xf32, #tpu.memory_space<hbm>>) target(%arg9 : memref<56x96xf32, #tpu.memory_space<vmem>>) target_semaphore(%arg13 : memref<!tpu.dma_semaphore, #tpu.memory_space<semaphore_mem>>)
      %dma_wait3A_83 = arith.constant 0 : i32
      %dma_wait3A_84 = arith.constant 0 : i32
      %dma_wait3A_85 = tpu.memref_slice %arg2[%dma_wait3A_83, %dma_wait3A_84] : memref<50176x96xf32, #tpu.memory_space<hbm>> -> memref<56x96xf32, #tpu.memory_space<hbm>>
      %dma_wait3A_86 = arith.constant 0 : i32
      %dma_wait3A_87 = arith.constant 0 : i32
      %dma_wait3A_88 = tpu.memref_slice %arg2[%dma_wait3A_86, %dma_wait3A_87] : memref<50176x96xf32, #tpu.memory_space<hbm>> -> memref<56x96xf32, #tpu.memory_space<hbm>>
      tpu.wait_dma2 semaphore(%arg12 : memref<!tpu.dma_semaphore, #tpu.memory_space<semaphore_mem>>) src(%dma_wait3A_88 : memref<56x96xf32, #tpu.memory_space<hbm>>) dst(%arg8 : memref<56x96xf32, #tpu.memory_space<vmem>>)
      %gt3A = arith.constant 0 : i32
      %gt3A_89 = arith.cmpi sgt, %scan3A_70, %gt3A : i32
      %convert_element_type3A_90 = arith.extui %gt3A_89 : i1 to i32
      %cond3A = arith.constant 0 : i32
      %cond3A_91 = arith.cmpi ne, %convert_element_type3A_90, %cond3A : i32
      scf.if %cond3A_91 {
        %dma_wait3A_130 = arith.constant 0 : i32
        %dma_wait3A_131 = arith.constant 0 : i32
        %dma_wait3A_132 = tpu.memref_slice %arg5[%dma_wait3A_130, %dma_wait3A_131] : memref<50176x96xf32, #tpu.memory_space<hbm>> -> memref<56x96xf32, #tpu.memory_space<hbm>>
        %dma_wait3A_133 = arith.constant 0 : i32
        %dma_wait3A_134 = arith.constant 0 : i32
        %dma_wait3A_135 = tpu.memref_slice %arg5[%dma_wait3A_133, %dma_wait3A_134] : memref<50176x96xf32, #tpu.memory_space<hbm>> -> memref<56x96xf32, #tpu.memory_space<hbm>>
        tpu.wait_dma2 semaphore(%arg14 : memref<!tpu.dma_semaphore, #tpu.memory_space<semaphore_mem>>) src(%arg10 : memref<56x96xf32, #tpu.memory_space<vmem>>) dst(%dma_wait3A_135 : memref<56x96xf32, #tpu.memory_space<hbm>>)
      } else {
      }
      %parallel_loop3A = arith.constant 0 : i32
      %parallel_loop3A_92 = arith.constant 56 : i32
      %parallel_loop3A_93 = arith.constant 1 : i32
      scf.for %parallel_loop3A_130 = %parallel_loop3A to %parallel_loop3A_92 step %parallel_loop3A_93  : i32 {
        %parallel_loop3A_131 = arith.index_cast %parallel_loop3A_130 : i32 to index
        %parallel_loop3A_132 = arith.constant 0 : index
        %parallel_loop3A_133 = tpu.vector_load %arg8[%parallel_loop3A_131, %parallel_loop3A_132] {strides = array<i32>} : memref<56x96xf32, #tpu.memory_space<vmem>>, vector<16xf32>,
        %parallel_loop3A_134 = arith.constant 0.000000e+00 : f32
        %parallel_loop3A_135 = vector.broadcast %parallel_loop3A_134 : f32 to vector<16xf32>
        %parallel_loop3A_136 = arith.subf %parallel_loop3A_135, %get3A_3 : vector<16xf32>
        %parallel_loop3A_137 = arith.maximumf %parallel_loop3A_136, %parallel_loop3A_133 : vector<16xf32>
        %parallel_loop3A_138 = arith.minimumf %get3A_3, %parallel_loop3A_137 : vector<16xf32>
        %parallel_loop3A_139 = arith.divf %parallel_loop3A_138, %get3A_3 : vector<16xf32>
        %parallel_loop3A_140 = arith.constant 1.000000e+00 : f32
        %parallel_loop3A_141 = vector.broadcast %parallel_loop3A_140 : f32 to vector<16xf32>
        %parallel_loop3A_142 = arith.addf %parallel_loop3A_139, %parallel_loop3A_141 : vector<16xf32>
        %parallel_loop3A_143 = arith.constant 5.000000e-01 : f32
        %parallel_loop3A_144 = vector.broadcast %parallel_loop3A_143 : f32 to vector<16xf32>
        %parallel_loop3A_145 = arith.mulf %parallel_loop3A_142, %parallel_loop3A_144 : vector<16xf32>
        %parallel_loop3A_146 = arith.constant 2.550000e+02 : f32
        %parallel_loop3A_147 = vector.broadcast %parallel_loop3A_146 : f32 to vector<16xf32>
        %parallel_loop3A_148 = arith.mulf %parallel_loop3A_145, %parallel_loop3A_147 : vector<16xf32>
        %parallel_loop3A_149 = arith.addf %parallel_loop3A_148, %mul3A_19 : vector<16xf32>
        %parallel_loop3A_150 = arith.fptosi %parallel_loop3A_149 : vector<16xf32> to vector<16xi32>
        %parallel_loop3A_151 = arith.sitofp %parallel_loop3A_150 : vector<16xi32> to vector<16xf32>
        %parallel_loop3A_152 = arith.subf %parallel_loop3A_149, %parallel_loop3A_151 : vector<16xf32>
        %parallel_loop3A_153 = arith.cmpf ogt, %parallel_loop3A_149, %parallel_loop3A_151 : vector<16xf32>
        %parallel_loop3A_154 = arith.extui %parallel_loop3A_153 : vector<16xi1> to vector<16xi32>
        %parallel_loop3A_155 = arith.addi %parallel_loop3A_150, %parallel_loop3A_154 : vector<16xi32>
        %parallel_loop3A_156 = tpu.vector_load_idx %arg6[%parallel_loop3A_150] : memref<24576xf32, #tpu.memory_space<vmem>>[vector<16xi32>], vector<16xf32>,
        %parallel_loop3A_157 = tpu.vector_load_idx %arg6[%parallel_loop3A_155] : memref<24576xf32, #tpu.memory_space<vmem>>[vector<16xi32>], vector<16xf32>,
        %parallel_loop3A_158 = arith.subf %parallel_loop3A_156, %parallel_loop3A_157 : vector<16xf32>
        %parallel_loop3A_159 = arith.mulf %parallel_loop3A_152, %parallel_loop3A_158 : vector<16xf32>
        %parallel_loop3A_160 = arith.addf %parallel_loop3A_157, %parallel_loop3A_159 : vector<16xf32>
        %parallel_loop3A_161 = arith.index_cast %parallel_loop3A_130 : i32 to index
        %parallel_loop3A_162 = arith.constant 0 : index
        %parallel_loop3A_163 = tpu.vector_load %arg10[%parallel_loop3A_161, %parallel_loop3A_162] {strides = array<i32>} : memref<56x96xf32, #tpu.memory_space<vmem>>, vector<16xf32>,
        tpu.vector_store %arg10[%parallel_loop3A_161, %parallel_loop3A_162], %parallel_loop3A_160 {strides = array<i32>} : memref<56x96xf32, #tpu.memory_space<vmem>>, vector<16xf32>,
        %parallel_loop3A_164 = arith.index_cast %parallel_loop3A_130 : i32 to index
        %parallel_loop3A_165 = arith.constant 16 : index
        %parallel_loop3A_166 = tpu.vector_load %arg8[%parallel_loop3A_164, %parallel_loop3A_165] {strides = array<i32>} : memref<56x96xf32, #tpu.memory_space<vmem>>, vector<16xf32>,
        %parallel_loop3A_167 = arith.constant 0.000000e+00 : f32
        %parallel_loop3A_168 = vector.broadcast %parallel_loop3A_167 : f32 to vector<16xf32>
        %parallel_loop3A_169 = arith.subf %parallel_loop3A_168, %get3A_5 : vector<16xf32>
        %parallel_loop3A_170 = arith.maximumf %parallel_loop3A_169, %parallel_loop3A_166 : vector<16xf32>
        %parallel_loop3A_171 = arith.minimumf %get3A_5, %parallel_loop3A_170 : vector<16xf32>
        %parallel_loop3A_172 = arith.divf %parallel_loop3A_171, %get3A_5 : vector<16xf32>
        %parallel_loop3A_173 = arith.constant 1.000000e+00 : f32
        %parallel_loop3A_174 = vector.broadcast %parallel_loop3A_173 : f32 to vector<16xf32>
        %parallel_loop3A_175 = arith.addf %parallel_loop3A_172, %parallel_loop3A_174 : vector<16xf32>
        %parallel_loop3A_176 = arith.constant 5.000000e-01 : f32
        %parallel_loop3A_177 = vector.broadcast %parallel_loop3A_176 : f32 to vector<16xf32>
        %parallel_loop3A_178 = arith.mulf %parallel_loop3A_175, %parallel_loop3A_177 : vector<16xf32>
        %parallel_loop3A_179 = arith.constant 2.550000e+02 : f32
        %parallel_loop3A_180 = vector.broadcast %parallel_loop3A_179 : f32 to vector<16xf32>
        %parallel_loop3A_181 = arith.mulf %parallel_loop3A_178, %parallel_loop3A_180 : vector<16xf32>
        %parallel_loop3A_182 = arith.addf %parallel_loop3A_181, %mul3A_25 : vector<16xf32>
        %parallel_loop3A_183 = arith.fptosi %parallel_loop3A_182 : vector<16xf32> to vector<16xi32>
        %parallel_loop3A_184 = arith.sitofp %parallel_loop3A_183 : vector<16xi32> to vector<16xf32>
        %parallel_loop3A_185 = arith.subf %parallel_loop3A_182, %parallel_loop3A_184 : vector<16xf32>
        %parallel_loop3A_186 = arith.cmpf ogt, %parallel_loop3A_182, %parallel_loop3A_184 : vector<16xf32>
        %parallel_loop3A_187 = arith.extui %parallel_loop3A_186 : vector<16xi1> to vector<16xi32>
        %parallel_loop3A_188 = arith.addi %parallel_loop3A_183, %parallel_loop3A_187 : vector<16xi32>
        %parallel_loop3A_189 = tpu.vector_load_idx %arg6[%parallel_loop3A_183] : memref<24576xf32, #tpu.memory_space<vmem>>[vector<16xi32>], vector<16xf32>,
        %parallel_loop3A_190 = tpu.vector_load_idx %arg6[%parallel_loop3A_188] : memref<24576xf32, #tpu.memory_space<vmem>>[vector<16xi32>], vector<16xf32>,
        %parallel_loop3A_191 = arith.subf %parallel_loop3A_189, %parallel_loop3A_190 : vector<16xf32>
        %parallel_loop3A_192 = arith.mulf %parallel_loop3A_185, %parallel_loop3A_191 : vector<16xf32>
        %parallel_loop3A_193 = arith.addf %parallel_loop3A_190, %parallel_loop3A_192 : vector<16xf32>
        %parallel_loop3A_194 = arith.index_cast %parallel_loop3A_130 : i32 to index
        %parallel_loop3A_195 = arith.constant 16 : index
        %parallel_loop3A_196 = tpu.vector_load %arg10[%parallel_loop3A_194, %parallel_loop3A_195] {strides = array<i32>} : memref<56x96xf32, #tpu.memory_space<vmem>>, vector<16xf32>,
        tpu.vector_store %arg10[%parallel_loop3A_194, %parallel_loop3A_195], %parallel_loop3A_193 {strides = array<i32>} : memref<56x96xf32, #tpu.memory_space<vmem>>, vector<16xf32>,
        %parallel_loop3A_197 = arith.index_cast %parallel_loop3A_130 : i32 to index
        %parallel_loop3A_198 = arith.constant 32 : index
        %parallel_loop3A_199 = tpu.vector_load %arg8[%parallel_loop3A_197, %parallel_loop3A_198] {strides = array<i32>} : memref<56x96xf32, #tpu.memory_space<vmem>>, vector<16xf32>,
        %parallel_loop3A_200 = arith.constant 0.000000e+00 : f32
        %parallel_loop3A_201 = vector.broadcast %parallel_loop3A_200 : f32 to vector<16xf32>
        %parallel_loop3A_202 = arith.subf %parallel_loop3A_201, %get3A_7 : vector<16xf32>
        %parallel_loop3A_203 = arith.maximumf %parallel_loop3A_202, %parallel_loop3A_199 : vector<16xf32>
        %parallel_loop3A_204 = arith.minimumf %get3A_7, %parallel_loop3A_203 : vector<16xf32>
        %parallel_loop3A_205 = arith.divf %parallel_loop3A_204, %get3A_7 : vector<16xf32>
        %parallel_loop3A_206 = arith.constant 1.000000e+00 : f32
        %parallel_loop3A_207 = vector.broadcast %parallel_loop3A_206 : f32 to vector<16xf32>
        %parallel_loop3A_208 = arith.addf %parallel_loop3A_205, %parallel_loop3A_207 : vector<16xf32>
        %parallel_loop3A_209 = arith.constant 5.000000e-01 : f32
        %parallel_loop3A_210 = vector.broadcast %parallel_loop3A_209 : f32 to vector<16xf32>
        %parallel_loop3A_211 = arith.mulf %parallel_loop3A_208, %parallel_loop3A_210 : vector<16xf32>
        %parallel_loop3A_212 = arith.constant 2.550000e+02 : f32
        %parallel_loop3A_213 = vector.broadcast %parallel_loop3A_212 : f32 to vector<16xf32>
        %parallel_loop3A_214 = arith.mulf %parallel_loop3A_211, %parallel_loop3A_213 : vector<16xf32>
        %parallel_loop3A_215 = arith.addf %parallel_loop3A_214, %mul3A_31 : vector<16xf32>
        %parallel_loop3A_216 = arith.fptosi %parallel_loop3A_215 : vector<16xf32> to vector<16xi32>
        %parallel_loop3A_217 = arith.sitofp %parallel_loop3A_216 : vector<16xi32> to vector<16xf32>
        %parallel_loop3A_218 = arith.subf %parallel_loop3A_215, %parallel_loop3A_217 : vector<16xf32>
        %parallel_loop3A_219 = arith.cmpf ogt, %parallel_loop3A_215, %parallel_loop3A_217 : vector<16xf32>
        %parallel_loop3A_220 = arith.extui %parallel_loop3A_219 : vector<16xi1> to vector<16xi32>
        %parallel_loop3A_221 = arith.addi %parallel_loop3A_216, %parallel_loop3A_220 : vector<16xi32>
        %parallel_loop3A_222 = tpu.vector_load_idx %arg6[%parallel_loop3A_216] : memref<24576xf32, #tpu.memory_space<vmem>>[vector<16xi32>], vector<16xf32>,
        %parallel_loop3A_223 = tpu.vector_load_idx %arg6[%parallel_loop3A_221] : memref<24576xf32, #tpu.memory_space<vmem>>[vector<16xi32>], vector<16xf32>,
        %parallel_loop3A_224 = arith.subf %parallel_loop3A_222, %parallel_loop3A_223 : vector<16xf32>
        %parallel_loop3A_225 = arith.mulf %parallel_loop3A_218, %parallel_loop3A_224 : vector<16xf32>
        %parallel_loop3A_226 = arith.addf %parallel_loop3A_223, %parallel_loop3A_225 : vector<16xf32>
        %parallel_loop3A_227 = arith.index_cast %parallel_loop3A_130 : i32 to index
        %parallel_loop3A_228 = arith.constant 32 : index
        %parallel_loop3A_229 = tpu.vector_load %arg10[%parallel_loop3A_227, %parallel_loop3A_228] {strides = array<i32>} : memref<56x96xf32, #tpu.memory_space<vmem>>, vector<16xf32>,
        tpu.vector_store %arg10[%parallel_loop3A_227, %parallel_loop3A_228], %parallel_loop3A_226 {strides = array<i32>} : memref<56x96xf32, #tpu.memory_space<vmem>>, vector<16xf32>,
        %parallel_loop3A_230 = arith.index_cast %parallel_loop3A_130 : i32 to index
        %parallel_loop3A_231 = arith.constant 48 : index
        %parallel_loop3A_232 = tpu.vector_load %arg8[%parallel_loop3A_230, %parallel_loop3A_231] {strides = array<i32>} : memref<56x96xf32, #tpu.memory_space<vmem>>, vector<16xf32>,
        %parallel_loop3A_233 = arith.constant 0.000000e+00 : f32
        %parallel_loop3A_234 = vector.broadcast %parallel_loop3A_233 : f32 to vector<16xf32>
        %parallel_loop3A_235 = arith.subf %parallel_loop3A_234, %get3A_9 : vector<16xf32>
        %parallel_loop3A_236 = arith.maximumf %parallel_loop3A_235, %parallel_loop3A_232 : vector<16xf32>
        %parallel_loop3A_237 = arith.minimumf %get3A_9, %parallel_loop3A_236 : vector<16xf32>
        %parallel_loop3A_238 = arith.divf %parallel_loop3A_237, %get3A_9 : vector<16xf32>
        %parallel_loop3A_239 = arith.constant 1.000000e+00 : f32
        %parallel_loop3A_240 = vector.broadcast %parallel_loop3A_239 : f32 to vector<16xf32>
        %parallel_loop3A_241 = arith.addf %parallel_loop3A_238, %parallel_loop3A_240 : vector<16xf32>
        %parallel_loop3A_242 = arith.constant 5.000000e-01 : f32
        %parallel_loop3A_243 = vector.broadcast %parallel_loop3A_242 : f32 to vector<16xf32>
        %parallel_loop3A_244 = arith.mulf %parallel_loop3A_241, %parallel_loop3A_243 : vector<16xf32>
        %parallel_loop3A_245 = arith.constant 2.550000e+02 : f32
        %parallel_loop3A_246 = vector.broadcast %parallel_loop3A_245 : f32 to vector<16xf32>
        %parallel_loop3A_247 = arith.mulf %parallel_loop3A_244, %parallel_loop3A_246 : vector<16xf32>
        %parallel_loop3A_248 = arith.addf %parallel_loop3A_247, %mul3A_37 : vector<16xf32>
        %parallel_loop3A_249 = arith.fptosi %parallel_loop3A_248 : vector<16xf32> to vector<16xi32>
        %parallel_loop3A_250 = arith.sitofp %parallel_loop3A_249 : vector<16xi32> to vector<16xf32>
        %parallel_loop3A_251 = arith.subf %parallel_loop3A_248, %parallel_loop3A_250 : vector<16xf32>
        %parallel_loop3A_252 = arith.cmpf ogt, %parallel_loop3A_248, %parallel_loop3A_250 : vector<16xf32>
        %parallel_loop3A_253 = arith.extui %parallel_loop3A_252 : vector<16xi1> to vector<16xi32>
        %parallel_loop3A_254 = arith.addi %parallel_loop3A_249, %parallel_loop3A_253 : vector<16xi32>
        %parallel_loop3A_255 = tpu.vector_load_idx %arg6[%parallel_loop3A_249] : memref<24576xf32, #tpu.memory_space<vmem>>[vector<16xi32>], vector<16xf32>,
        %parallel_loop3A_256 = tpu.vector_load_idx %arg6[%parallel_loop3A_254] : memref<24576xf32, #tpu.memory_space<vmem>>[vector<16xi32>], vector<16xf32>,
        %parallel_loop3A_257 = arith.subf %parallel_loop3A_255, %parallel_loop3A_256 : vector<16xf32>
        %parallel_loop3A_258 = arith.mulf %parallel_loop3A_251, %parallel_loop3A_257 : vector<16xf32>
        %parallel_loop3A_259 = arith.addf %parallel_loop3A_256, %parallel_loop3A_258 : vector<16xf32>
        %parallel_loop3A_260 = arith.index_cast %parallel_loop3A_130 : i32 to index
        %parallel_loop3A_261 = arith.constant 48 : index
        %parallel_loop3A_262 = tpu.vector_load %arg10[%parallel_loop3A_260, %parallel_loop3A_261] {strides = array<i32>} : memref<56x96xf32, #tpu.memory_space<vmem>>, vector<16xf32>,
        tpu.vector_store %arg10[%parallel_loop3A_260, %parallel_loop3A_261], %parallel_loop3A_259 {strides = array<i32>} : memref<56x96xf32, #tpu.memory_space<vmem>>, vector<16xf32>,
        %parallel_loop3A_263 = arith.index_cast %parallel_loop3A_130 : i32 to index
        %parallel_loop3A_264 = arith.constant 64 : index
        %parallel_loop3A_265 = tpu.vector_load %arg8[%parallel_loop3A_263, %parallel_loop3A_264] {strides = array<i32>} : memref<56x96xf32, #tpu.memory_space<vmem>>, vector<16xf32>,
        %parallel_loop3A_266 = arith.constant 0.000000e+00 : f32
        %parallel_loop3A_267 = vector.broadcast %parallel_loop3A_266 : f32 to vector<16xf32>
        %parallel_loop3A_268 = arith.subf %parallel_loop3A_267, %get3A_11 : vector<16xf32>
        %parallel_loop3A_269 = arith.maximumf %parallel_loop3A_268, %parallel_loop3A_265 : vector<16xf32>
        %parallel_loop3A_270 = arith.minimumf %get3A_11, %parallel_loop3A_269 : vector<16xf32>
        %parallel_loop3A_271 = arith.divf %parallel_loop3A_270, %get3A_11 : vector<16xf32>
        %parallel_loop3A_272 = arith.constant 1.000000e+00 : f32
        %parallel_loop3A_273 = vector.broadcast %parallel_loop3A_272 : f32 to vector<16xf32>
        %parallel_loop3A_274 = arith.addf %parallel_loop3A_271, %parallel_loop3A_273 : vector<16xf32>
        %parallel_loop3A_275 = arith.constant 5.000000e-01 : f32
        %parallel_loop3A_276 = vector.broadcast %parallel_loop3A_275 : f32 to vector<16xf32>
        %parallel_loop3A_277 = arith.mulf %parallel_loop3A_274, %parallel_loop3A_276 : vector<16xf32>
        %parallel_loop3A_278 = arith.constant 2.550000e+02 : f32
        %parallel_loop3A_279 = vector.broadcast %parallel_loop3A_278 : f32 to vector<16xf32>
        %parallel_loop3A_280 = arith.mulf %parallel_loop3A_277, %parallel_loop3A_279 : vector<16xf32>
        %parallel_loop3A_281 = arith.addf %parallel_loop3A_280, %mul3A_43 : vector<16xf32>
        %parallel_loop3A_282 = arith.fptosi %parallel_loop3A_281 : vector<16xf32> to vector<16xi32>
        %parallel_loop3A_283 = arith.sitofp %parallel_loop3A_282 : vector<16xi32> to vector<16xf32>
        %parallel_loop3A_284 = arith.subf %parallel_loop3A_281, %parallel_loop3A_283 : vector<16xf32>
        %parallel_loop3A_285 = arith.cmpf ogt, %parallel_loop3A_281, %parallel_loop3A_283 : vector<16xf32>
        %parallel_loop3A_286 = arith.extui %parallel_loop3A_285 : vector<16xi1> to vector<16xi32>
        %parallel_loop3A_287 = arith.addi %parallel_loop3A_282, %parallel_loop3A_286 : vector<16xi32>
        %parallel_loop3A_288 = tpu.vector_load_idx %arg6[%parallel_loop3A_282] : memref<24576xf32, #tpu.memory_space<vmem>>[vector<16xi32>], vector<16xf32>,
        %parallel_loop3A_289 = tpu.vector_load_idx %arg6[%parallel_loop3A_287] : memref<24576xf32, #tpu.memory_space<vmem>>[vector<16xi32>], vector<16xf32>,
        %parallel_loop3A_290 = arith.subf %parallel_loop3A_288, %parallel_loop3A_289 : vector<16xf32>
        %parallel_loop3A_291 = arith.mulf %parallel_loop3A_284, %parallel_loop3A_290 : vector<16xf32>
        %parallel_loop3A_292 = arith.addf %parallel_loop3A_289, %parallel_loop3A_291 : vector<16xf32>
        %parallel_loop3A_293 = arith.index_cast %parallel_loop3A_130 : i32 to index
        %parallel_loop3A_294 = arith.constant 64 : index
        %parallel_loop3A_295 = tpu.vector_load %arg10[%parallel_loop3A_293, %parallel_loop3A_294] {strides = array<i32>} : memref<56x96xf32, #tpu.memory_space<vmem>>, vector<16xf32>,
        tpu.vector_store %arg10[%parallel_loop3A_293, %parallel_loop3A_294], %parallel_loop3A_292 {strides = array<i32>} : memref<56x96xf32, #tpu.memory_space<vmem>>, vector<16xf32>,
        %parallel_loop3A_296 = arith.index_cast %parallel_loop3A_130 : i32 to index
        %parallel_loop3A_297 = arith.constant 80 : index
        %parallel_loop3A_298 = tpu.vector_load %arg8[%parallel_loop3A_296, %parallel_loop3A_297] {strides = array<i32>} : memref<56x96xf32, #tpu.memory_space<vmem>>, vector<16xf32>,
        %parallel_loop3A_299 = arith.constant 0.000000e+00 : f32
        %parallel_loop3A_300 = vector.broadcast %parallel_loop3A_299 : f32 to vector<16xf32>
        %parallel_loop3A_301 = arith.subf %parallel_loop3A_300, %get3A_13 : vector<16xf32>
        %parallel_loop3A_302 = arith.maximumf %parallel_loop3A_301, %parallel_loop3A_298 : vector<16xf32>
        %parallel_loop3A_303 = arith.minimumf %get3A_13, %parallel_loop3A_302 : vector<16xf32>
        %parallel_loop3A_304 = arith.divf %parallel_loop3A_303, %get3A_13 : vector<16xf32>
        %parallel_loop3A_305 = arith.constant 1.000000e+00 : f32
        %parallel_loop3A_306 = vector.broadcast %parallel_loop3A_305 : f32 to vector<16xf32>
        %parallel_loop3A_307 = arith.addf %parallel_loop3A_304, %parallel_loop3A_306 : vector<16xf32>
        %parallel_loop3A_308 = arith.constant 5.000000e-01 : f32
        %parallel_loop3A_309 = vector.broadcast %parallel_loop3A_308 : f32 to vector<16xf32>
        %parallel_loop3A_310 = arith.mulf %parallel_loop3A_307, %parallel_loop3A_309 : vector<16xf32>
        %parallel_loop3A_311 = arith.constant 2.550000e+02 : f32
        %parallel_loop3A_312 = vector.broadcast %parallel_loop3A_311 : f32 to vector<16xf32>
        %parallel_loop3A_313 = arith.mulf %parallel_loop3A_310, %parallel_loop3A_312 : vector<16xf32>
        %parallel_loop3A_314 = arith.addf %parallel_loop3A_313, %mul3A_49 : vector<16xf32>
        %parallel_loop3A_315 = arith.fptosi %parallel_loop3A_314 : vector<16xf32> to vector<16xi32>
        %parallel_loop3A_316 = arith.sitofp %parallel_loop3A_315 : vector<16xi32> to vector<16xf32>
        %parallel_loop3A_317 = arith.subf %parallel_loop3A_314, %parallel_loop3A_316 : vector<16xf32>
        %parallel_loop3A_318 = arith.cmpf ogt, %parallel_loop3A_314, %parallel_loop3A_316 : vector<16xf32>
        %parallel_loop3A_319 = arith.extui %parallel_loop3A_318 : vector<16xi1> to vector<16xi32>
        %parallel_loop3A_320 = arith.addi %parallel_loop3A_315, %parallel_loop3A_319 : vector<16xi32>
        %parallel_loop3A_321 = tpu.vector_load_idx %arg6[%parallel_loop3A_315] : memref<24576xf32, #tpu.memory_space<vmem>>[vector<16xi32>], vector<16xf32>,
        %parallel_loop3A_322 = tpu.vector_load_idx %arg6[%parallel_loop3A_320] : memref<24576xf32, #tpu.memory_space<vmem>>[vector<16xi32>], vector<16xf32>,
        %parallel_loop3A_323 = arith.subf %parallel_loop3A_321, %parallel_loop3A_322 : vector<16xf32>
        %parallel_loop3A_324 = arith.mulf %parallel_loop3A_317, %parallel_loop3A_323 : vector<16xf32>
        %parallel_loop3A_325 = arith.addf %parallel_loop3A_322, %parallel_loop3A_324 : vector<16xf32>
        %parallel_loop3A_326 = arith.index_cast %parallel_loop3A_130 : i32 to index
        %parallel_loop3A_327 = arith.constant 80 : index
        %parallel_loop3A_328 = tpu.vector_load %arg10[%parallel_loop3A_326, %parallel_loop3A_327] {strides = array<i32>} : memref<56x96xf32, #tpu.memory_space<vmem>>, vector<16xf32>,
        tpu.vector_store %arg10[%parallel_loop3A_326, %parallel_loop3A_327], %parallel_loop3A_325 {strides = array<i32>} : memref<56x96xf32, #tpu.memory_space<vmem>>, vector<16xf32>,
      } {sc.loop_unroll_factor = 1 : i64, sc.parallel_access}
      %mul3A_94 = arith.constant 56 : i32
      %mul3A_95 = arith.muli %mul3A_72, %mul3A_94 : i32
      %add3A_96 = arith.addi %mul3A_2, %mul3A_95 : i32
      %multiple_of3A_97 = tpu.assume_multiple %add3A_96, 8 : i32
      %dma_start3A_98 = arith.constant 0 : i32
      %dma_start3A_99 = tpu.memref_slice %arg5[%multiple_of3A_97, %dma_start3A_98] : memref<50176x96xf32, #tpu.memory_space<hbm>> -> memref<56x96xf32, #tpu.memory_space<hbm>>
      %dma_start3A_100 = arith.constant 0 : i32
      %dma_start3A_101 = tpu.memref_slice %arg5[%multiple_of3A_97, %dma_start3A_100] : memref<50176x96xf32, #tpu.memory_space<hbm>> -> memref<56x96xf32, #tpu.memory_space<hbm>>
      tpu.enqueue_dma source(%arg10 : memref<56x96xf32, #tpu.memory_space<vmem>>) target(%dma_start3A_101 : memref<56x96xf32, #tpu.memory_space<hbm>>) target_semaphore(%arg14 : memref<!tpu.dma_semaphore, #tpu.memory_space<semaphore_mem>>)
      %lt3A = arith.constant 13 : i32
      %lt3A_102 = arith.cmpi slt, %scan3A_70, %lt3A : i32
      %convert_element_type3A_103 = arith.extui %lt3A_102 : i1 to i32
      %cond3A_104 = arith.constant 0 : i32
      %cond3A_105 = arith.cmpi ne, %convert_element_type3A_103, %cond3A_104 : i32
      scf.if %cond3A_105 {
        %add3A_130 = arith.constant 2 : i32
        %add3A_131 = arith.addi %mul3A_72, %add3A_130 : i32
        %mul3A_132 = arith.constant 56 : i32
        %mul3A_133 = arith.muli %add3A_131, %mul3A_132 : i32
        %add3A_134 = arith.addi %mul3A_2, %mul3A_133 : i32
        %multiple_of3A_135 = tpu.assume_multiple %add3A_134, 8 : i32
        %dma_start3A_136 = arith.constant 0 : i32
        %dma_start3A_137 = tpu.memref_slice %arg2[%multiple_of3A_135, %dma_start3A_136] : memref<50176x96xf32, #tpu.memory_space<hbm>> -> memref<56x96xf32, #tpu.memory_space<hbm>>
        %dma_start3A_138 = arith.constant 0 : i32
        %dma_start3A_139 = tpu.memref_slice %arg2[%multiple_of3A_135, %dma_start3A_138] : memref<50176x96xf32, #tpu.memory_space<hbm>> -> memref<56x96xf32, #tpu.memory_space<hbm>>
        tpu.enqueue_dma source(%dma_start3A_139 : memref<56x96xf32, #tpu.memory_space<hbm>>) target(%arg8 : memref<56x96xf32, #tpu.memory_space<vmem>>) target_semaphore(%arg12 : memref<!tpu.dma_semaphore, #tpu.memory_space<semaphore_mem>>)
      } else {
      }
      %dma_wait3A_106 = arith.constant 0 : i32
      %dma_wait3A_107 = arith.constant 0 : i32
      %dma_wait3A_108 = tpu.memref_slice %arg2[%dma_wait3A_106, %dma_wait3A_107] : memref<50176x96xf32, #tpu.memory_space<hbm>> -> memref<56x96xf32, #tpu.memory_space<hbm>>
      %dma_wait3A_109 = arith.constant 0 : i32
      %dma_wait3A_110 = arith.constant 0 : i32
      %dma_wait3A_111 = tpu.memref_slice %arg2[%dma_wait3A_109, %dma_wait3A_110] : memref<50176x96xf32, #tpu.memory_space<hbm>> -> memref<56x96xf32, #tpu.memory_space<hbm>>
      tpu.wait_dma2 semaphore(%arg13 : memref<!tpu.dma_semaphore, #tpu.memory_space<semaphore_mem>>) src(%dma_wait3A_111 : memref<56x96xf32, #tpu.memory_space<hbm>>) dst(%arg9 : memref<56x96xf32, #tpu.memory_space<vmem>>)
      %gt3A_112 = arith.constant 0 : i32
      %gt3A_113 = arith.cmpi sgt, %scan3A_70, %gt3A_112 : i32
      %convert_element_type3A_114 = arith.extui %gt3A_113 : i1 to i32
      %cond3A_115 = arith.constant 0 : i32
      %cond3A_116 = arith.cmpi ne, %convert_element_type3A_114, %cond3A_115 : i32
      scf.if %cond3A_116 {
        %dma_wait3A_130 = arith.constant 0 : i32
        %dma_wait3A_131 = arith.constant 0 : i32
        %dma_wait3A_132 = tpu.memref_slice %arg5[%dma_wait3A_130, %dma_wait3A_131] : memref<50176x96xf32, #tpu.memory_space<hbm>> -> memref<56x96xf32, #tpu.memory_space<hbm>>
        %dma_wait3A_133 = arith.constant 0 : i32
        %dma_wait3A_134 = arith.constant 0 : i32
        %dma_wait3A_135 = tpu.memref_slice %arg5[%dma_wait3A_133, %dma_wait3A_134] : memref<50176x96xf32, #tpu.memory_space<hbm>> -> memref<56x96xf32, #tpu.memory_space<hbm>>
        tpu.wait_dma2 semaphore(%arg15 : memref<!tpu.dma_semaphore, #tpu.memory_space<semaphore_mem>>) src(%arg11 : memref<56x96xf32, #tpu.memory_space<vmem>>) dst(%dma_wait3A_135 : memref<56x96xf32, #tpu.memory_space<hbm>>)
      } else {
      }
      %parallel_loop3A_117 = arith.constant 0 : i32
      %parallel_loop3A_118 = arith.constant 56 : i32
      %parallel_loop3A_119 = arith.constant 1 : i32
      scf.for %parallel_loop3A_130 = %parallel_loop3A_117 to %parallel_loop3A_118 step %parallel_loop3A_119  : i32 {
        %parallel_loop3A_131 = arith.index_cast %parallel_loop3A_130 : i32 to index
        %parallel_loop3A_132 = arith.constant 0 : index
        %parallel_loop3A_133 = tpu.vector_load %arg9[%parallel_loop3A_131, %parallel_loop3A_132] {strides = array<i32>} : memref<56x96xf32, #tpu.memory_space<vmem>>, vector<16xf32>,
        %parallel_loop3A_134 = arith.constant 0.000000e+00 : f32
        %parallel_loop3A_135 = vector.broadcast %parallel_loop3A_134 : f32 to vector<16xf32>
        %parallel_loop3A_136 = arith.subf %parallel_loop3A_135, %get3A_3 : vector<16xf32>
        %parallel_loop3A_137 = arith.maximumf %parallel_loop3A_136, %parallel_loop3A_133 : vector<16xf32>
        %parallel_loop3A_138 = arith.minimumf %get3A_3, %parallel_loop3A_137 : vector<16xf32>
        %parallel_loop3A_139 = arith.divf %parallel_loop3A_138, %get3A_3 : vector<16xf32>
        %parallel_loop3A_140 = arith.constant 1.000000e+00 : f32
        %parallel_loop3A_141 = vector.broadcast %parallel_loop3A_140 : f32 to vector<16xf32>
        %parallel_loop3A_142 = arith.addf %parallel_loop3A_139, %parallel_loop3A_141 : vector<16xf32>
        %parallel_loop3A_143 = arith.constant 5.000000e-01 : f32
        %parallel_loop3A_144 = vector.broadcast %parallel_loop3A_143 : f32 to vector<16xf32>
        %parallel_loop3A_145 = arith.mulf %parallel_loop3A_142, %parallel_loop3A_144 : vector<16xf32>
        %parallel_loop3A_146 = arith.constant 2.550000e+02 : f32
        %parallel_loop3A_147 = vector.broadcast %parallel_loop3A_146 : f32 to vector<16xf32>
        %parallel_loop3A_148 = arith.mulf %parallel_loop3A_145, %parallel_loop3A_147 : vector<16xf32>
        %parallel_loop3A_149 = arith.addf %parallel_loop3A_148, %mul3A_19 : vector<16xf32>
        %parallel_loop3A_150 = arith.fptosi %parallel_loop3A_149 : vector<16xf32> to vector<16xi32>
        %parallel_loop3A_151 = arith.sitofp %parallel_loop3A_150 : vector<16xi32> to vector<16xf32>
        %parallel_loop3A_152 = arith.subf %parallel_loop3A_149, %parallel_loop3A_151 : vector<16xf32>
        %parallel_loop3A_153 = arith.cmpf ogt, %parallel_loop3A_149, %parallel_loop3A_151 : vector<16xf32>
        %parallel_loop3A_154 = arith.extui %parallel_loop3A_153 : vector<16xi1> to vector<16xi32>
        %parallel_loop3A_155 = arith.addi %parallel_loop3A_150, %parallel_loop3A_154 : vector<16xi32>
        %parallel_loop3A_156 = tpu.vector_load_idx %arg6[%parallel_loop3A_150] : memref<24576xf32, #tpu.memory_space<vmem>>[vector<16xi32>], vector<16xf32>,
        %parallel_loop3A_157 = tpu.vector_load_idx %arg6[%parallel_loop3A_155] : memref<24576xf32, #tpu.memory_space<vmem>>[vector<16xi32>], vector<16xf32>,
        %parallel_loop3A_158 = arith.subf %parallel_loop3A_156, %parallel_loop3A_157 : vector<16xf32>
        %parallel_loop3A_159 = arith.mulf %parallel_loop3A_152, %parallel_loop3A_158 : vector<16xf32>
        %parallel_loop3A_160 = arith.addf %parallel_loop3A_157, %parallel_loop3A_159 : vector<16xf32>
        %parallel_loop3A_161 = arith.index_cast %parallel_loop3A_130 : i32 to index
        %parallel_loop3A_162 = arith.constant 0 : index
        %parallel_loop3A_163 = tpu.vector_load %arg11[%parallel_loop3A_161, %parallel_loop3A_162] {strides = array<i32>} : memref<56x96xf32, #tpu.memory_space<vmem>>, vector<16xf32>,
        tpu.vector_store %arg11[%parallel_loop3A_161, %parallel_loop3A_162], %parallel_loop3A_160 {strides = array<i32>} : memref<56x96xf32, #tpu.memory_space<vmem>>, vector<16xf32>,
        %parallel_loop3A_164 = arith.index_cast %parallel_loop3A_130 : i32 to index
        %parallel_loop3A_165 = arith.constant 16 : index
        %parallel_loop3A_166 = tpu.vector_load %arg9[%parallel_loop3A_164, %parallel_loop3A_165] {strides = array<i32>} : memref<56x96xf32, #tpu.memory_space<vmem>>, vector<16xf32>,
        %parallel_loop3A_167 = arith.constant 0.000000e+00 : f32
        %parallel_loop3A_168 = vector.broadcast %parallel_loop3A_167 : f32 to vector<16xf32>
        %parallel_loop3A_169 = arith.subf %parallel_loop3A_168, %get3A_5 : vector<16xf32>
        %parallel_loop3A_170 = arith.maximumf %parallel_loop3A_169, %parallel_loop3A_166 : vector<16xf32>
        %parallel_loop3A_171 = arith.minimumf %get3A_5, %parallel_loop3A_170 : vector<16xf32>
        %parallel_loop3A_172 = arith.divf %parallel_loop3A_171, %get3A_5 : vector<16xf32>
        %parallel_loop3A_173 = arith.constant 1.000000e+00 : f32
        %parallel_loop3A_174 = vector.broadcast %parallel_loop3A_173 : f32 to vector<16xf32>
        %parallel_loop3A_175 = arith.addf %parallel_loop3A_172, %parallel_loop3A_174 : vector<16xf32>
        %parallel_loop3A_176 = arith.constant 5.000000e-01 : f32
        %parallel_loop3A_177 = vector.broadcast %parallel_loop3A_176 : f32 to vector<16xf32>
        %parallel_loop3A_178 = arith.mulf %parallel_loop3A_175, %parallel_loop3A_177 : vector<16xf32>
        %parallel_loop3A_179 = arith.constant 2.550000e+02 : f32
        %parallel_loop3A_180 = vector.broadcast %parallel_loop3A_179 : f32 to vector<16xf32>
        %parallel_loop3A_181 = arith.mulf %parallel_loop3A_178, %parallel_loop3A_180 : vector<16xf32>
        %parallel_loop3A_182 = arith.addf %parallel_loop3A_181, %mul3A_25 : vector<16xf32>
        %parallel_loop3A_183 = arith.fptosi %parallel_loop3A_182 : vector<16xf32> to vector<16xi32>
        %parallel_loop3A_184 = arith.sitofp %parallel_loop3A_183 : vector<16xi32> to vector<16xf32>
        %parallel_loop3A_185 = arith.subf %parallel_loop3A_182, %parallel_loop3A_184 : vector<16xf32>
        %parallel_loop3A_186 = arith.cmpf ogt, %parallel_loop3A_182, %parallel_loop3A_184 : vector<16xf32>
        %parallel_loop3A_187 = arith.extui %parallel_loop3A_186 : vector<16xi1> to vector<16xi32>
        %parallel_loop3A_188 = arith.addi %parallel_loop3A_183, %parallel_loop3A_187 : vector<16xi32>
        %parallel_loop3A_189 = tpu.vector_load_idx %arg6[%parallel_loop3A_183] : memref<24576xf32, #tpu.memory_space<vmem>>[vector<16xi32>], vector<16xf32>,
        %parallel_loop3A_190 = tpu.vector_load_idx %arg6[%parallel_loop3A_188] : memref<24576xf32, #tpu.memory_space<vmem>>[vector<16xi32>], vector<16xf32>,
        %parallel_loop3A_191 = arith.subf %parallel_loop3A_189, %parallel_loop3A_190 : vector<16xf32>
        %parallel_loop3A_192 = arith.mulf %parallel_loop3A_185, %parallel_loop3A_191 : vector<16xf32>
        %parallel_loop3A_193 = arith.addf %parallel_loop3A_190, %parallel_loop3A_192 : vector<16xf32>
        %parallel_loop3A_194 = arith.index_cast %parallel_loop3A_130 : i32 to index
        %parallel_loop3A_195 = arith.constant 16 : index
        %parallel_loop3A_196 = tpu.vector_load %arg11[%parallel_loop3A_194, %parallel_loop3A_195] {strides = array<i32>} : memref<56x96xf32, #tpu.memory_space<vmem>>, vector<16xf32>,
        tpu.vector_store %arg11[%parallel_loop3A_194, %parallel_loop3A_195], %parallel_loop3A_193 {strides = array<i32>} : memref<56x96xf32, #tpu.memory_space<vmem>>, vector<16xf32>,
        %parallel_loop3A_197 = arith.index_cast %parallel_loop3A_130 : i32 to index
        %parallel_loop3A_198 = arith.constant 32 : index
        %parallel_loop3A_199 = tpu.vector_load %arg9[%parallel_loop3A_197, %parallel_loop3A_198] {strides = array<i32>} : memref<56x96xf32, #tpu.memory_space<vmem>>, vector<16xf32>,
        %parallel_loop3A_200 = arith.constant 0.000000e+00 : f32
        %parallel_loop3A_201 = vector.broadcast %parallel_loop3A_200 : f32 to vector<16xf32>
        %parallel_loop3A_202 = arith.subf %parallel_loop3A_201, %get3A_7 : vector<16xf32>
        %parallel_loop3A_203 = arith.maximumf %parallel_loop3A_202, %parallel_loop3A_199 : vector<16xf32>
        %parallel_loop3A_204 = arith.minimumf %get3A_7, %parallel_loop3A_203 : vector<16xf32>
        %parallel_loop3A_205 = arith.divf %parallel_loop3A_204, %get3A_7 : vector<16xf32>
        %parallel_loop3A_206 = arith.constant 1.000000e+00 : f32
        %parallel_loop3A_207 = vector.broadcast %parallel_loop3A_206 : f32 to vector<16xf32>
        %parallel_loop3A_208 = arith.addf %parallel_loop3A_205, %parallel_loop3A_207 : vector<16xf32>
        %parallel_loop3A_209 = arith.constant 5.000000e-01 : f32
        %parallel_loop3A_210 = vector.broadcast %parallel_loop3A_209 : f32 to vector<16xf32>
        %parallel_loop3A_211 = arith.mulf %parallel_loop3A_208, %parallel_loop3A_210 : vector<16xf32>
        %parallel_loop3A_212 = arith.constant 2.550000e+02 : f32
        %parallel_loop3A_213 = vector.broadcast %parallel_loop3A_212 : f32 to vector<16xf32>
        %parallel_loop3A_214 = arith.mulf %parallel_loop3A_211, %parallel_loop3A_213 : vector<16xf32>
        %parallel_loop3A_215 = arith.addf %parallel_loop3A_214, %mul3A_31 : vector<16xf32>
        %parallel_loop3A_216 = arith.fptosi %parallel_loop3A_215 : vector<16xf32> to vector<16xi32>
        %parallel_loop3A_217 = arith.sitofp %parallel_loop3A_216 : vector<16xi32> to vector<16xf32>
        %parallel_loop3A_218 = arith.subf %parallel_loop3A_215, %parallel_loop3A_217 : vector<16xf32>
        %parallel_loop3A_219 = arith.cmpf ogt, %parallel_loop3A_215, %parallel_loop3A_217 : vector<16xf32>
        %parallel_loop3A_220 = arith.extui %parallel_loop3A_219 : vector<16xi1> to vector<16xi32>
        %parallel_loop3A_221 = arith.addi %parallel_loop3A_216, %parallel_loop3A_220 : vector<16xi32>
        %parallel_loop3A_222 = tpu.vector_load_idx %arg6[%parallel_loop3A_216] : memref<24576xf32, #tpu.memory_space<vmem>>[vector<16xi32>], vector<16xf32>,
        %parallel_loop3A_223 = tpu.vector_load_idx %arg6[%parallel_loop3A_221] : memref<24576xf32, #tpu.memory_space<vmem>>[vector<16xi32>], vector<16xf32>,
        %parallel_loop3A_224 = arith.subf %parallel_loop3A_222, %parallel_loop3A_223 : vector<16xf32>
        %parallel_loop3A_225 = arith.mulf %parallel_loop3A_218, %parallel_loop3A_224 : vector<16xf32>
        %parallel_loop3A_226 = arith.addf %parallel_loop3A_223, %parallel_loop3A_225 : vector<16xf32>
        %parallel_loop3A_227 = arith.index_cast %parallel_loop3A_130 : i32 to index
        %parallel_loop3A_228 = arith.constant 32 : index
        %parallel_loop3A_229 = tpu.vector_load %arg11[%parallel_loop3A_227, %parallel_loop3A_228] {strides = array<i32>} : memref<56x96xf32, #tpu.memory_space<vmem>>, vector<16xf32>,
        tpu.vector_store %arg11[%parallel_loop3A_227, %parallel_loop3A_228], %parallel_loop3A_226 {strides = array<i32>} : memref<56x96xf32, #tpu.memory_space<vmem>>, vector<16xf32>,
        %parallel_loop3A_230 = arith.index_cast %parallel_loop3A_130 : i32 to index
        %parallel_loop3A_231 = arith.constant 48 : index
        %parallel_loop3A_232 = tpu.vector_load %arg9[%parallel_loop3A_230, %parallel_loop3A_231] {strides = array<i32>} : memref<56x96xf32, #tpu.memory_space<vmem>>, vector<16xf32>,
        %parallel_loop3A_233 = arith.constant 0.000000e+00 : f32
        %parallel_loop3A_234 = vector.broadcast %parallel_loop3A_233 : f32 to vector<16xf32>
        %parallel_loop3A_235 = arith.subf %parallel_loop3A_234, %get3A_9 : vector<16xf32>
        %parallel_loop3A_236 = arith.maximumf %parallel_loop3A_235, %parallel_loop3A_232 : vector<16xf32>
        %parallel_loop3A_237 = arith.minimumf %get3A_9, %parallel_loop3A_236 : vector<16xf32>
        %parallel_loop3A_238 = arith.divf %parallel_loop3A_237, %get3A_9 : vector<16xf32>
        %parallel_loop3A_239 = arith.constant 1.000000e+00 : f32
        %parallel_loop3A_240 = vector.broadcast %parallel_loop3A_239 : f32 to vector<16xf32>
        %parallel_loop3A_241 = arith.addf %parallel_loop3A_238, %parallel_loop3A_240 : vector<16xf32>
        %parallel_loop3A_242 = arith.constant 5.000000e-01 : f32
        %parallel_loop3A_243 = vector.broadcast %parallel_loop3A_242 : f32 to vector<16xf32>
        %parallel_loop3A_244 = arith.mulf %parallel_loop3A_241, %parallel_loop3A_243 : vector<16xf32>
        %parallel_loop3A_245 = arith.constant 2.550000e+02 : f32
        %parallel_loop3A_246 = vector.broadcast %parallel_loop3A_245 : f32 to vector<16xf32>
        %parallel_loop3A_247 = arith.mulf %parallel_loop3A_244, %parallel_loop3A_246 : vector<16xf32>
        %parallel_loop3A_248 = arith.addf %parallel_loop3A_247, %mul3A_37 : vector<16xf32>
        %parallel_loop3A_249 = arith.fptosi %parallel_loop3A_248 : vector<16xf32> to vector<16xi32>
        %parallel_loop3A_250 = arith.sitofp %parallel_loop3A_249 : vector<16xi32> to vector<16xf32>
        %parallel_loop3A_251 = arith.subf %parallel_loop3A_248, %parallel_loop3A_250 : vector<16xf32>
        %parallel_loop3A_252 = arith.cmpf ogt, %parallel_loop3A_248, %parallel_loop3A_250 : vector<16xf32>
        %parallel_loop3A_253 = arith.extui %parallel_loop3A_252 : vector<16xi1> to vector<16xi32>
        %parallel_loop3A_254 = arith.addi %parallel_loop3A_249, %parallel_loop3A_253 : vector<16xi32>
        %parallel_loop3A_255 = tpu.vector_load_idx %arg6[%parallel_loop3A_249] : memref<24576xf32, #tpu.memory_space<vmem>>[vector<16xi32>], vector<16xf32>,
        %parallel_loop3A_256 = tpu.vector_load_idx %arg6[%parallel_loop3A_254] : memref<24576xf32, #tpu.memory_space<vmem>>[vector<16xi32>], vector<16xf32>,
        %parallel_loop3A_257 = arith.subf %parallel_loop3A_255, %parallel_loop3A_256 : vector<16xf32>
        %parallel_loop3A_258 = arith.mulf %parallel_loop3A_251, %parallel_loop3A_257 : vector<16xf32>
        %parallel_loop3A_259 = arith.addf %parallel_loop3A_256, %parallel_loop3A_258 : vector<16xf32>
        %parallel_loop3A_260 = arith.index_cast %parallel_loop3A_130 : i32 to index
        %parallel_loop3A_261 = arith.constant 48 : index
        %parallel_loop3A_262 = tpu.vector_load %arg11[%parallel_loop3A_260, %parallel_loop3A_261] {strides = array<i32>} : memref<56x96xf32, #tpu.memory_space<vmem>>, vector<16xf32>,
        tpu.vector_store %arg11[%parallel_loop3A_260, %parallel_loop3A_261], %parallel_loop3A_259 {strides = array<i32>} : memref<56x96xf32, #tpu.memory_space<vmem>>, vector<16xf32>,
        %parallel_loop3A_263 = arith.index_cast %parallel_loop3A_130 : i32 to index
        %parallel_loop3A_264 = arith.constant 64 : index
        %parallel_loop3A_265 = tpu.vector_load %arg9[%parallel_loop3A_263, %parallel_loop3A_264] {strides = array<i32>} : memref<56x96xf32, #tpu.memory_space<vmem>>, vector<16xf32>,
        %parallel_loop3A_266 = arith.constant 0.000000e+00 : f32
        %parallel_loop3A_267 = vector.broadcast %parallel_loop3A_266 : f32 to vector<16xf32>
        %parallel_loop3A_268 = arith.subf %parallel_loop3A_267, %get3A_11 : vector<16xf32>
        %parallel_loop3A_269 = arith.maximumf %parallel_loop3A_268, %parallel_loop3A_265 : vector<16xf32>
        %parallel_loop3A_270 = arith.minimumf %get3A_11, %parallel_loop3A_269 : vector<16xf32>
        %parallel_loop3A_271 = arith.divf %parallel_loop3A_270, %get3A_11 : vector<16xf32>
        %parallel_loop3A_272 = arith.constant 1.000000e+00 : f32
        %parallel_loop3A_273 = vector.broadcast %parallel_loop3A_272 : f32 to vector<16xf32>
        %parallel_loop3A_274 = arith.addf %parallel_loop3A_271, %parallel_loop3A_273 : vector<16xf32>
        %parallel_loop3A_275 = arith.constant 5.000000e-01 : f32
        %parallel_loop3A_276 = vector.broadcast %parallel_loop3A_275 : f32 to vector<16xf32>
        %parallel_loop3A_277 = arith.mulf %parallel_loop3A_274, %parallel_loop3A_276 : vector<16xf32>
        %parallel_loop3A_278 = arith.constant 2.550000e+02 : f32
        %parallel_loop3A_279 = vector.broadcast %parallel_loop3A_278 : f32 to vector<16xf32>
        %parallel_loop3A_280 = arith.mulf %parallel_loop3A_277, %parallel_loop3A_279 : vector<16xf32>
        %parallel_loop3A_281 = arith.addf %parallel_loop3A_280, %mul3A_43 : vector<16xf32>
        %parallel_loop3A_282 = arith.fptosi %parallel_loop3A_281 : vector<16xf32> to vector<16xi32>
        %parallel_loop3A_283 = arith.sitofp %parallel_loop3A_282 : vector<16xi32> to vector<16xf32>
        %parallel_loop3A_284 = arith.subf %parallel_loop3A_281, %parallel_loop3A_283 : vector<16xf32>
        %parallel_loop3A_285 = arith.cmpf ogt, %parallel_loop3A_281, %parallel_loop3A_283 : vector<16xf32>
        %parallel_loop3A_286 = arith.extui %parallel_loop3A_285 : vector<16xi1> to vector<16xi32>
        %parallel_loop3A_287 = arith.addi %parallel_loop3A_282, %parallel_loop3A_286 : vector<16xi32>
        %parallel_loop3A_288 = tpu.vector_load_idx %arg6[%parallel_loop3A_282] : memref<24576xf32, #tpu.memory_space<vmem>>[vector<16xi32>], vector<16xf32>,
        %parallel_loop3A_289 = tpu.vector_load_idx %arg6[%parallel_loop3A_287] : memref<24576xf32, #tpu.memory_space<vmem>>[vector<16xi32>], vector<16xf32>,
        %parallel_loop3A_290 = arith.subf %parallel_loop3A_288, %parallel_loop3A_289 : vector<16xf32>
        %parallel_loop3A_291 = arith.mulf %parallel_loop3A_284, %parallel_loop3A_290 : vector<16xf32>
        %parallel_loop3A_292 = arith.addf %parallel_loop3A_289, %parallel_loop3A_291 : vector<16xf32>
        %parallel_loop3A_293 = arith.index_cast %parallel_loop3A_130 : i32 to index
        %parallel_loop3A_294 = arith.constant 64 : index
        %parallel_loop3A_295 = tpu.vector_load %arg11[%parallel_loop3A_293, %parallel_loop3A_294] {strides = array<i32>} : memref<56x96xf32, #tpu.memory_space<vmem>>, vector<16xf32>,
        tpu.vector_store %arg11[%parallel_loop3A_293, %parallel_loop3A_294], %parallel_loop3A_292 {strides = array<i32>} : memref<56x96xf32, #tpu.memory_space<vmem>>, vector<16xf32>,
        %parallel_loop3A_296 = arith.index_cast %parallel_loop3A_130 : i32 to index
        %parallel_loop3A_297 = arith.constant 80 : index
        %parallel_loop3A_298 = tpu.vector_load %arg9[%parallel_loop3A_296, %parallel_loop3A_297] {strides = array<i32>} : memref<56x96xf32, #tpu.memory_space<vmem>>, vector<16xf32>,
        %parallel_loop3A_299 = arith.constant 0.000000e+00 : f32
        %parallel_loop3A_300 = vector.broadcast %parallel_loop3A_299 : f32 to vector<16xf32>
        %parallel_loop3A_301 = arith.subf %parallel_loop3A_300, %get3A_13 : vector<16xf32>
        %parallel_loop3A_302 = arith.maximumf %parallel_loop3A_301, %parallel_loop3A_298 : vector<16xf32>
        %parallel_loop3A_303 = arith.minimumf %get3A_13, %parallel_loop3A_302 : vector<16xf32>
        %parallel_loop3A_304 = arith.divf %parallel_loop3A_303, %get3A_13 : vector<16xf32>
        %parallel_loop3A_305 = arith.constant 1.000000e+00 : f32
        %parallel_loop3A_306 = vector.broadcast %parallel_loop3A_305 : f32 to vector<16xf32>
        %parallel_loop3A_307 = arith.addf %parallel_loop3A_304, %parallel_loop3A_306 : vector<16xf32>
        %parallel_loop3A_308 = arith.constant 5.000000e-01 : f32
        %parallel_loop3A_309 = vector.broadcast %parallel_loop3A_308 : f32 to vector<16xf32>
        %parallel_loop3A_310 = arith.mulf %parallel_loop3A_307, %parallel_loop3A_309 : vector<16xf32>
        %parallel_loop3A_311 = arith.constant 2.550000e+02 : f32
        %parallel_loop3A_312 = vector.broadcast %parallel_loop3A_311 : f32 to vector<16xf32>
        %parallel_loop3A_313 = arith.mulf %parallel_loop3A_310, %parallel_loop3A_312 : vector<16xf32>
        %parallel_loop3A_314 = arith.addf %parallel_loop3A_313, %mul3A_49 : vector<16xf32>
        %parallel_loop3A_315 = arith.fptosi %parallel_loop3A_314 : vector<16xf32> to vector<16xi32>
        %parallel_loop3A_316 = arith.sitofp %parallel_loop3A_315 : vector<16xi32> to vector<16xf32>
        %parallel_loop3A_317 = arith.subf %parallel_loop3A_314, %parallel_loop3A_316 : vector<16xf32>
        %parallel_loop3A_318 = arith.cmpf ogt, %parallel_loop3A_314, %parallel_loop3A_316 : vector<16xf32>
        %parallel_loop3A_319 = arith.extui %parallel_loop3A_318 : vector<16xi1> to vector<16xi32>
        %parallel_loop3A_320 = arith.addi %parallel_loop3A_315, %parallel_loop3A_319 : vector<16xi32>
        %parallel_loop3A_321 = tpu.vector_load_idx %arg6[%parallel_loop3A_315] : memref<24576xf32, #tpu.memory_space<vmem>>[vector<16xi32>], vector<16xf32>,
        %parallel_loop3A_322 = tpu.vector_load_idx %arg6[%parallel_loop3A_320] : memref<24576xf32, #tpu.memory_space<vmem>>[vector<16xi32>], vector<16xf32>,
        %parallel_loop3A_323 = arith.subf %parallel_loop3A_321, %parallel_loop3A_322 : vector<16xf32>
        %parallel_loop3A_324 = arith.mulf %parallel_loop3A_317, %parallel_loop3A_323 : vector<16xf32>
        %parallel_loop3A_325 = arith.addf %parallel_loop3A_322, %parallel_loop3A_324 : vector<16xf32>
        %parallel_loop3A_326 = arith.index_cast %parallel_loop3A_130 : i32 to index
        %parallel_loop3A_327 = arith.constant 80 : index
        %parallel_loop3A_328 = tpu.vector_load %arg11[%parallel_loop3A_326, %parallel_loop3A_327] {strides = array<i32>} : memref<56x96xf32, #tpu.memory_space<vmem>>, vector<16xf32>,
        tpu.vector_store %arg11[%parallel_loop3A_326, %parallel_loop3A_327], %parallel_loop3A_325 {strides = array<i32>} : memref<56x96xf32, #tpu.memory_space<vmem>>, vector<16xf32>,
      } {sc.loop_unroll_factor = 1 : i64, sc.parallel_access}
      %add3A_120 = arith.constant 1 : i32
      %add3A_121 = arith.addi %mul3A_72, %add3A_120 : i32
      %mul3A_122 = arith.constant 56 : i32
      %mul3A_123 = arith.muli %add3A_121, %mul3A_122 : i32
      %add3A_124 = arith.addi %mul3A_2, %mul3A_123 : i32
      %multiple_of3A_125 = tpu.assume_multiple %add3A_124, 8 : i32
      %dma_start3A_126 = arith.constant 0 : i32
      %dma_start3A_127 = tpu.memref_slice %arg5[%multiple_of3A_125, %dma_start3A_126] : memref<50176x96xf32, #tpu.memory_space<hbm>> -> memref<56x96xf32, #tpu.memory_space<hbm>>
      %dma_start3A_128 = arith.constant 0 : i32
      %dma_start3A_129 = tpu.memref_slice %arg5[%multiple_of3A_125, %dma_start3A_128] : memref<50176x96xf32, #tpu.memory_space<hbm>> -> memref<56x96xf32, #tpu.memory_space<hbm>>
      tpu.enqueue_dma source(%arg11 : memref<56x96xf32, #tpu.memory_space<vmem>>) target(%dma_start3A_129 : memref<56x96xf32, #tpu.memory_space<hbm>>) target_semaphore(%arg15 : memref<!tpu.dma_semaphore, #tpu.memory_space<semaphore_mem>>)
    }
    %scan3A_58 = arith.constant 14 : i32
    %dma_wait3A = arith.constant 0 : i32
    %dma_wait3A_59 = arith.constant 0 : i32
    %dma_wait3A_60 = tpu.memref_slice %arg5[%dma_wait3A, %dma_wait3A_59] : memref<50176x96xf32, #tpu.memory_space<hbm>> -> memref<56x96xf32, #tpu.memory_space<hbm>>
    %dma_wait3A_61 = arith.constant 0 : i32
    %dma_wait3A_62 = arith.constant 0 : i32
    %dma_wait3A_63 = tpu.memref_slice %arg5[%dma_wait3A_61, %dma_wait3A_62] : memref<50176x96xf32, #tpu.memory_space<hbm>> -> memref<56x96xf32, #tpu.memory_space<hbm>>
    tpu.wait_dma2 semaphore(%arg14 : memref<!tpu.dma_semaphore, #tpu.memory_space<semaphore_mem>>) src(%arg10 : memref<56x96xf32, #tpu.memory_space<vmem>>) dst(%dma_wait3A_63 : memref<56x96xf32, #tpu.memory_space<hbm>>)
    %dma_wait3A_64 = arith.constant 0 : i32
    %dma_wait3A_65 = arith.constant 0 : i32
    %dma_wait3A_66 = tpu.memref_slice %arg5[%dma_wait3A_64, %dma_wait3A_65] : memref<50176x96xf32, #tpu.memory_space<hbm>> -> memref<56x96xf32, #tpu.memory_space<hbm>>
    %dma_wait3A_67 = arith.constant 0 : i32
    %dma_wait3A_68 = arith.constant 0 : i32
    %dma_wait3A_69 = tpu.memref_slice %arg5[%dma_wait3A_67, %dma_wait3A_68] : memref<50176x96xf32, #tpu.memory_space<hbm>> -> memref<56x96xf32, #tpu.memory_space<hbm>>
    tpu.wait_dma2 semaphore(%arg15 : memref<!tpu.dma_semaphore, #tpu.memory_space<semaphore_mem>>) src(%arg11 : memref<56x96xf32, #tpu.memory_space<vmem>>) dst(%dma_wait3A_69 : memref<56x96xf32, #tpu.memory_space<hbm>>)
    return
  }
}

module attributes {stable_mosaic.version = 14 : i64} {
  func.func @_stats_body(%arg0: memref<50176x96xf32, #tpu.memory_space<vmem>>, %arg1: memref<1x96xf32, #tpu.memory_space<vmem>>, %arg2: memref<1x96xf32, #tpu.memory_space<vmem>>) attributes {dimension_semantics = [], scalar_prefetch = 0 : i64, scratch_operands = 0 : i64, tpu.core_type = #tpu.core_type<tc>} {
    %get3A = arith.constant 0 : index
    %get3A_0 = arith.constant 0 : index
    %get3A_1 = vector.load %arg0[%get3A, %get3A_0] : memref<50176x96xf32, #tpu.memory_space<vmem>>, vector<50176x96xf32>
    %reduce_sum3A = vector.shape_cast %get3A_1 : vector<50176x96xf32> to vector<1x50176x96xf32>
    %reduce_sum3A_2 = arith.constant dense<0.000000e+00> : vector<1xf32>
    %reduce_sum3A_3 = vector.multi_reduction <add>, %reduce_sum3A, %reduce_sum3A_2 [1, 2] : vector<1x50176x96xf32> to vector<1xf32>
    %reduce_sum3A_4 = vector.shape_cast %reduce_sum3A_3 : vector<1xf32> to vector<1x1x1xf32>
    %reduce_sum3A_5 = vector.extract %reduce_sum3A_4[0, 0, 0] : f32 from vector<1x1x1xf32>
    %mul3A = arith.mulf %get3A_1, %get3A_1 : vector<50176x96xf32>
    %reduce_sum3A_6 = vector.shape_cast %mul3A : vector<50176x96xf32> to vector<1x50176x96xf32>
    %reduce_sum3A_7 = arith.constant dense<0.000000e+00> : vector<1xf32>
    %reduce_sum3A_8 = vector.multi_reduction <add>, %reduce_sum3A_6, %reduce_sum3A_7 [1, 2] : vector<1x50176x96xf32> to vector<1xf32>
    %reduce_sum3A_9 = vector.shape_cast %reduce_sum3A_8 : vector<1xf32> to vector<1x1x1xf32>
    %reduce_sum3A_10 = vector.extract %reduce_sum3A_9[0, 0, 0] : f32 from vector<1x1x1xf32>
    %abs3A = math.absf %get3A_1 : vector<50176x96xf32>
    %reduce_max3A = vector.shape_cast %abs3A : vector<50176x96xf32> to vector<1x50176x96xf32>
    %reduce_max3A_11 = arith.constant dense<0xFF800000> : vector<1xf32>
    %reduce_max3A_12 = vector.multi_reduction <maximumf>, %reduce_max3A, %reduce_max3A_11 [1, 2] : vector<1x50176x96xf32> to vector<1xf32>
    %reduce_max3A_13 = vector.shape_cast %reduce_max3A_12 : vector<1xf32> to vector<1x1x1xf32>
    %reduce_max3A_14 = vector.extract %reduce_max3A_13[0, 0, 0] : f32 from vector<1x1x1xf32>
    %div3A = arith.constant 0x4A930000 : f32
    %div3A_15 = arith.divf %reduce_sum3A_5, %div3A : f32
    %mul3A_16 = arith.mulf %reduce_sum3A_5, %div3A_15 : f32
    %sub3A = arith.subf %reduce_sum3A_10, %mul3A_16 : f32
    %sub3A_17 = arith.constant 0x4A930000 : f32
    %sub3A_18 = arith.constant 1.000000e+00 : f32
    %sub3A_19 = arith.subf %sub3A_17, %sub3A_18 : f32
    %div3A_20 = arith.divf %sub3A, %sub3A_19 : f32
    %sqrt3A = math.sqrt %div3A_20 : f32
    %mul3A_21 = arith.constant 2.000000e+00 : f32
    %mul3A_22 = arith.mulf %mul3A_21, %sqrt3A : f32
    %mul3A_23 = arith.constant 1.000000e-01 : f32
    %mul3A_24 = arith.mulf %mul3A_22, %mul3A_23 : f32
    %add3A = arith.constant 2.250000e+00 : f32
    %add3A_25 = arith.addf %add3A, %mul3A_24 : f32
    %mul3A_26 = arith.constant 1.000000e-01 : f32
    %mul3A_27 = arith.mulf %reduce_max3A_14, %mul3A_26 : f32
    %add3A_28 = arith.constant 3.150000e+00 : f32
    %add3A_29 = arith.addf %add3A_28, %mul3A_27 : f32
    %get3A_30 = arith.constant 0 : index
    %get3A_31 = arith.constant 0 : index
    %get3A_32 = vector.load %arg1[%get3A_30, %get3A_31] : memref<1x96xf32, #tpu.memory_space<vmem>>, vector<1x96xf32>
    %max3A = vector.broadcast %add3A_25 : f32 to vector<1x96xf32>
    %max3A_33 = arith.maximumf %get3A_32, %max3A : vector<1x96xf32>
    %min3A = vector.broadcast %add3A_29 : f32 to vector<1x96xf32>
    %min3A_34 = arith.minimumf %max3A_33, %min3A : vector<1x96xf32>
    %swap3A = arith.constant 0 : index
    %swap3A_35 = arith.constant 0 : index
    %swap3A_36 = vector.load %arg2[%swap3A, %swap3A_35] : memref<1x96xf32, #tpu.memory_space<vmem>>, vector<1x96xf32>
    tpu.vector_store %arg2[%swap3A, %swap3A_35], %min3A_34 {strides = array<i32>} : memref<1x96xf32, #tpu.memory_space<vmem>>, vector<1x96xf32>,
    return
  }
}

</mosaic_0001>

<sc_bundles>
// kernel: kernel.4.cloned.1.call-start
scs
__scs_entry_jumppad:
0x0: {  	(pc) =	sbr.rel $0x88, $3  }
0x1: {  	(tag) =	ssettag $0x0;
	lr =	simm.s32 $0x1  }
0x2: {  	[smem:$0x3F9E] =	sst lr;
	_ =	strace $0xD0000000  }
0x3: {  	_ = 	snop  }
0x4: {  	_ = 	snop  }
0x5: {  	_ = 	snop  }
0x6: {  	_ = 	snop  }
0x7: {  	_ = 	snop  }
__scs_overlays_trampoline_lowered:
0x8: {  	[smem:$0x3FAD] =	sst s0  }
0x9: {  	[smem:$0x3FAE] =	sst s1  }
0xa: {  	[smem:$0x3FAF] =	sst s2  }
0xb: {  	[smem:$0x3FB0] =	sst s3  }
0xc: {  	[smem:$0x3FB1] =	sst s4  }
0xd: {  	[smem:$0x3FB2] =	sst s5  }
0xe: {  	[smem:$0x3FB3] =	sst s6  }
0xf: {  	[smem:$0x3FB4] =	sst s7  }
0x10: {  	[smem:$0x3FB5] =	sst s8  }
0x11: {  	[smem:$0x3FB6] =	sst s9;
	s0 =	simm.s32 @!p0 $0x0  }
0x12: {  	s1 =	sld [smem:$0x3F9C];
	s0 =	simm.s32 @p0 $0x1  }
0x13: {  	[smem:$0x3FB7] =	sst s0;
	s0 =	simm.s32 @!p1 $0x0  }
0x14: {  	s2 =	sld [smem:$0x3F9B];
	s0 =	simm.s32 @p1 $0x1  }
0x15: {  	[smem:$0x3FB8] =	sst s0;
	s0 =	simm.s32 @!p2 $0x0  }
0x16: {  	s3 =	sld [smem:$0x3FDB];
	s0 =	simm.s32 @p2 $0x1  }
0x17: {  	s4 =	simm.s32 $0x1BF5;
	[smem:$0x3FBA] =	sst s0  }
0x18: {  	s0 =	sld [smem:$0x3F9D];
	_ =	swait.ge [sflag:s4], $0x0  }
0x19: {  	s7 =	sld [smem:$0x3F9E]  }
0x1a: {  	s8 =	sadd.s32 $0xFFFFE003, lr  }
0x1b: {  	s9 =	sadd.s32 $0xFFFFFEF7, lr;
	s5 =	simm.s32 $0xFFFFFFFF;
	p2 =	slt.u32 s8, $0xFFFFF086  }
0x1c: {  	p1 =	slt.u32 s9, $0xF7A;
	s5 =	simm.s32 @!p2 $0x0  }
0x1d: {  	s5 =	simm.s32 @p1 $0x1;
	p0 =	seq.s32 s7, s2  }
0x1e: {  	s7 =	smul.u32 @!p0 $0xF7A, s2;
	p2 =	seq.s32 @!p0 s5, $0x0  }
0x1f: {  	s9 =	smul.u32 $0xF7A, s1;
	s8 =	simm.s32 @!p0 $0x1BF5;
	p2 =	por !p2, p0  }
0x20: {  	[sflag:s8] =	ssyncset.s32 @!p0 $0xFFFFF086;
	s6 =	sadd.s32 @!p0 s3, s7;
	s7 =	simm.s32 @!p0 $0x108  }
0x21: {  	s3 =	sadd.s32 s3, s9;
	s6 =	sadd.s32 @!p0 $0x88, s6;
	s7 =	simm.s32 @p2 $0x1082  }
0x22: {  	[simem:s7], [sflag:s8] =	dma.local @!p0 [hbm:s6], $0xF7A  }
0x23: {  	s9 =	sor.u32 $0xD0000000, s2;
	s6 =	simm.s32 $0x108;
	_ =	swait.ge @!p0 [sflag:s8], $0x0  }
0x24: {  	s3 =	sadd.s32 $0x88, s3;
	s6 =	simm.s32 @!p1 $0x1082;
	[sflag:s4] =	ssyncset.s32 $0xFFFFF086  }
0x25: {  	[simem:s6], [sflag:s4] =	dma.local [hbm:s3], $0xF7A  }
0x26: {  	[smem:$0x3F9E] =	sst s1;
	(tag) =	ssettag s2;
	_ =	strace s9  }
0x27: {  	s1 =	sld [smem:$0x3FAE]  }
0x28: {  	s2 =	sld [smem:$0x3FAF]  }
0x29: {  	s4 =	sld [smem:$0x3FB1]  }
0x2a: {  	p0 =	seq.s32 s5, $0x0;
	s5 =	sld [smem:$0x3FB2]  }
0x2b: {  	s6 =	sld [smem:$0x3FB3]  }
0x2c: {  	s7 =	sld [smem:$0x3FB4]  }
0x2d: {  	s3 =	simm.s32 $0x108;
	s8 =	sld [smem:$0x3FB5]  }
0x2e: {  	s3 =	simm.s32 @!p0 $0x1082;
	s9 =	sld [smem:$0x3FB6]  }
0x2f: {  	lr =	sadd.s32 s0, s3;
	s0 =	sld [smem:$0x3FAD]  }
0x30: {  	s3 =	sld [smem:$0x3FB0]  }
0x31: {  	[smem:$0x3FB9] =	sst s10  }
0x32: {  	s10 =	sld [smem:$0x3FB7];
	_ =	sdelay $0x3  }
0x33: {  	p0 =	seq.s32 s10, $0x1;
	s10 =	sld [smem:$0x3FB9];
	_ =	sdelay $0x3  }
0x34: {  	[smem:$0x3FB9] =	sst s10  }
0x35: {  	s10 =	sld [smem:$0x3FB8];
	_ =	sdelay $0x3  }
0x36: {  	p1 =	seq.s32 s10, $0x1;
	s10 =	sld [smem:$0x3FB9];
	_ =	sdelay $0x3  }
0x37: {  	[smem:$0x3FB9] =	sst s10  }
0x38: {  	s10 =	sld [smem:$0x3FBA]  }
0x39: {  	_ = 	snop;
	(pc) =	sbr.ind lr, $3  }
0x3a: {  	_ = 	snop  }
0x3b: {  	_ = 	snop  }
0x3c: {  	p2 =	seq.s32 s10, $0x1;
	s10 =	sld [smem:$0x3FB9]  }
0x3d: {  	_ =	shalt  }
0x3e: {  	_ =	shalt  }
0x3f: {  	_ =	shalt  }
0x40: {  	_ =	shalt  }
0x41: {  	_ =	shalt  }
0x42: {  	_ =	shalt  }
0x43: {  	_ =	shalt  }
0x44: {  	_ =	shalt  }
0x45: {  	_ =	shalt  }
0x46: {  	_ =	shalt  }
0x47: {  	_ =	shalt  }
0x48: {  	_ =	shalt  }
0x49: {  	_ =	shalt  }
0x4a: {  	_ =	shalt  }
0x4b: {  	_ =	shalt  }
0x4c: {  	_ =	shalt  }
0x4d: {  	_ =	shalt  }
0x4e: {  	_ =	shalt  }
0x4f: {  	_ =	shalt  }
0x50: {  	_ =	shalt  }
0x51: {  	_ =	shalt  }
0x52: {  	_ =	shalt  }
0x53: {  	_ =	shalt  }
0x54: {  	_ =	shalt  }
0x55: {  	_ =	shalt  }
0x56: {  	_ =	shalt  }
0x57: {  	_ =	shalt  }
0x58: {  	_ =	shalt  }
0x59: {  	_ =	shalt  }
0x5a: {  	_ =	shalt  }
0x5b: {  	_ =	shalt  }
0x5c: {  	_ =	shalt  }
0x5d: {  	_ =	shalt  }
0x5e: {  	_ =	shalt  }
0x5f: {  	_ =	shalt  }
0x60: {  	_ =	shalt  }
0x61: {  	_ =	shalt  }
0x62: {  	_ =	shalt  }
0x63: {  	_ =	shalt  }
0x64: {  	_ =	shalt  }
0x65: {  	_ =	shalt  }
0x66: {  	_ =	shalt  }
0x67: {  	_ =	shalt  }
0x68: {  	_ =	shalt  }
0x69: {  	_ =	shalt  }
0x6a: {  	_ =	shalt  }
0x6b: {  	_ =	shalt  }
0x6c: {  	_ =	shalt  }
0x6d: {  	_ =	shalt  }
0x6e: {  	_ =	shalt  }
0x6f: {  	_ =	shalt  }
0x70: {  	_ =	shalt  }
0x71: {  	_ =	shalt  }
0x72: {  	_ =	shalt  }
0x73: {  	_ =	shalt  }
0x74: {  	_ =	shalt  }
0x75: {  	_ =	shalt  }
0x76: {  	_ =	shalt  }
0x77: {  	_ =	shalt  }
0x78: {  	_ =	shalt  }
0x79: {  	_ =	shalt  }
0x7a: {  	_ =	shalt  }
0x7b: {  	_ =	shalt  }
0x7c: {  	_ =	shalt  }
0x7d: {  	_ =	shalt  }
0x7e: {  	_ =	shalt  }
0x7f: {  	_ =	shalt  }
0x80: {  	_ =	shalt  }
0x81: {  	_ =	shalt  }
0x82: {  	_ =	shalt  }
0x83: {  	_ =	shalt  }
0x84: {  	_ =	shalt  }
0x85: {  	_ =	shalt  }
0x86: {  	_ =	shalt  }
0x87: {  	_ =	shalt  }
.Lfunc_end0:
.L_simem_size_0:
called_computation_lowered:
.L_overlay_start_0:
0x88: {  	s2 =	sld [smem:$0x3FD9]  }
0x89: {  	s3 =	sld [smem:$0x3FFE];
	_ =	sdelay $0x1  }
0x8a: {  	s1 =	srdreg.scid  }
0x8b: {  	s0 =	sand.u32 $0x1, s1  }
0x8c: {  	s17 =	sshll.u32 s0, $0xA;
	s2 =	sadd.s32 s3, s2  }
0x8d: {  	s2 =	sadd.s32 s2, s17  }
0x8e: {  	[smem:$0x3FC5] =	sst s2  }
0x8f: {  	_ = 	snop  }
0x90: {  	s2 =	sld [smem:$0x3FC9]  }
0x91: {  	s18 =	sld [smem:$0x3FC7]  }
0x92: {  	s4 =	sld [smem:$0x3FD0];
	(tm) =	ssettm $0x1  }
0x93: {  	s5 =	sld [smem:$0x3FFB];
	_ =	sdelay $0x3  }
0x94: {  	_ =	strace s5  }
0x95: {  	s5 =	sld [smem:$0x3FFC];
	_ =	sdelay $0x3  }
0x96: {  	_ =	strace s5  }
0x97: {  	s5 =	sld [smem:$0x3FFD];
	_ =	sdelay $0x3  }
0x98: {  	_ =	strace s5  }
0x99: {  	_ =	strace $0x8FFFFFFF  }
0x9a: {  	s19 =	sld [smem:$0x3FDB];
	_ =	sdelay $0x1  }
0x9b: {  	s6 =	simm.s32 $_scs_section_size  }
0x9c: {  	s7 =	simm.s32 $_size__tile_overlayer_lowered;
	s8 =	simm.s32 $_tile_overlayer_lowered  }
0x9d: {  	s22 =	simm.s32 $0x1BFF;
	s21 =	sshll.u32 s8, $0x1;
	s5 =	sadd.s32 s6, s19  }
0x9e: {  	s9 =	simm.s32 $0x0;
	s20 =	sshll.u32 s7, $0x1;
	s7 =	sadd.s32 s21, s5  }
0x9f: {  	[timem:s9], [sflag:s22] =	dma.local [hbm:s7], s20  }
0xa0: {  	_ =	swait.ge [sflag:s22], s20  }
0xa1: {  	s6 =	ssub.s32 $0x0, s20;
	[sflag:s22] =	ssyncset.done $0x0  }
0xa2: {  	[sflag:s22] =	ssyncadd.s32 s6;
	_ =	sdelay $0x1  }
0xa3: {  	s23 =	simm.s32 $0x1B8B  }
0xa4: {  	_ =	swait.ge [sflag:s23], $0x1  }
0xa5: {  	[sflag:s23] =	ssyncset.done $0x0  }
0xa6: {  	s25 =	simm.s32 $0x1B8E;
	s24 =	sld [smem:$0x3FFE];
	[sflag:s23] =	ssyncadd.s32 $0xFFFFFFFF  }
0xa7: {  	s26 =	simm.s32 $execute0_lowered;
	[smem:$0x3FD2] =	sst s25  }
0xa8: {  	s7 =	sshll.u32 s26, $0x1;
	_ =	strace $0x80000046;
	[dreg:$0x1] =	wrdreg $0xFFFFFFFF  }
0xa9: {  	s28 =	simm.s32 $_size_execute0_lowered;
	s5 =	sadd.s32 s5, s7;
	[dreg:$0x0] =	wrdreg $0x0  }
0xaa: {  	s7 =	sshll.u32 s28, $0x1;
	[dreg:$0x2] =	wrdreg s5  }
0xab: {  	[dreg:$0x3] =	wrdreg s7  }
0xac: {  	[dreg:$0x4] =	wrdreg $0xC0  }
0xad: {  	_ =	task [dreg:s9], $0x5FFFF  }
0xae: {  	[dreg:$0x1] =	wrdreg $0xFFFFFFFF  }
0xaf: {  	[dreg:$0x0] =	wrdreg $0x60  }
0xb0: {  	[dreg:$0x2] =	wrdreg s2  }
0xb1: {  	[dreg:$0x3] =	wrdreg s24  }
0xb2: {  	[dreg:$0x4] =	wrdreg s18  }
0xb3: {  	[dreg:$0x5] =	wrdreg s4  }
0xb4: {  	[dreg:$0x6] =	wrdreg $0x9  }
0xb5: {  	_ =	task.clear_ibuf [dreg:s9], $0x7FFFF;
	_ =	strace $0x90000046  }
0xb6: {  	s29 =	simm.s32 $0x9;
	_ =	strace $0x80000048  }
0xb7: {  	_ =	swait.ge [sflag:s29], $0x1  }
0xb8: {  	[sflag:s29] =	ssyncadd.s32 $0xFFFFFFFF  }
0xb9: {  	_ =	strace $0x90000048  }
0xba: {  	_ =	sfence  }
0xbb: {  	s30 =	sld [smem:$0x0];
	_ =	sdelay $0x2  }
0xbc: {  	s31 =	sshll.u32 s1, $0xD;
	s1 =	sshrl.u32 s1, $0x2  }
0xbd: {  	s3 =	sand.u32 $0x4000, s31;
	s1 =	sadd.s32 s1, s30  }
0xbe: {  	s0 =	sor.u32 s3, s0;
	s1 =	sshll.u32 s1, $0x11  }
0xbf: {  	s0 =	sor.u32 s1, s0  }
0xc0: {  	s0 =	sadd.s32 $0x8F2B, s0  }
0xc1: {  	[sflag:s0] =	ssyncadd.remote.s32 $0x1  }
0xc2: {  	_ =	sfence.sel $0xFFFF  }
0xc3: {  	[dreg:$0x0] =	wrdreg $0xFFFFFFFF;
	(pc) =	sbr.abs _section_cstart, $3  }
0xc4: {  	[dreg:$0x1] =	wrdreg $0xFFFFFFFF  }
0xc5: {  	_ =	task.clear_ibuf [dreg:s9], $0x2FFFF;
	_ =	strace $0x9FFFFFFF  }
0xc6: {  	(tm) =	ssettm $0x7FFFFFFF  }
0xc7: {  	_ =	shalt  }
tec
execute0_lowered:
.L_overlay_start_1:
0x0: {  	(tag) =	ssettag $0x1  }
0x1: {  	v0 =	vimm.f32 $3.840000000e+03  }
0x2: {  	vm14 =	vcmask $0x300;
	vm13 =	vcmask $0x704;
	vm12 =	vcmask $0xB08  }
0x3: {  	vm11 =	vcmask $0xF0C;
	vm10 =	vcmask $0x1310;
	vm9 =	vcmask $0x1714  }
0x4: {  	vm8 =	vcmask $0x1B18;
	vm5 =	vcmask $0x1F1C;
	v1 =	vimm.f32 $7.936000000e+03  }
0x5: {  	v2 =	vimm.f32 $1.203200000e+04;
	vm0 =	vcmask $0x2320;
	vm1 =	vcmask $0x2724  }
0x6: {  	vm2 =	vcmask $0x2B28;
	vm3 =	vcmask $0x2F2C;
	vm4 =	vcmask $0x3330  }
0x7: {  	vm6 =	vcmask $0x3734;
	vm7 =	vcmask $0x3B38;
	v5 =	vimm.f32 $2.022400000e+04  }
0x8: {  	v6 =	vimm.f32 $2.432000000e+04;
	v0 =	vsel vm14, $0x0, v0;
	v1 =	vsel vm14, $0x45800000, v1  }
0x9: {  	v2 =	vsel vm14, $0x46000000, v2;
	v5 =	vsel vm14, $0x46800000, v5;
	v6 =	vsel vm14, $0x46A00000, v6  }
0xa: {  	v0 =	vsel vm13, $0x43800000, v0;
	v1 =	vsel vm13, $0x45880000, v1;
	v2 =	vsel vm13, $0x46040000, v2  }
0xb: {  	v5 =	vsel vm13, $0x46820000, v5;
	v1 =	vsel vm12, $0x45900000, v1;
	v2 =	vsel vm12, $0x46080000, v2  }
0xc: {  	v6 =	vsel vm13, $0x46A20000, v6;
	v1 =	vsel vm11, $0x45980000, v1;
	v2 =	vsel vm11, $0x460C0000, v2  }
0xd: {  	v0 =	vsel vm12, $0x44000000, v0;
	v1 =	vsel vm10, $0x45A00000, v1;
	v2 =	vsel vm10, $0x46100000, v2  }
0xe: {  	v5 =	vsel vm12, $0x46840000, v5;
	v1 =	vsel vm9, $0x45A80000, v1;
	v2 =	vsel vm9, $0x46140000, v2  }
0xf: {  	v6 =	vsel vm12, $0x46A40000, v6;
	v1 =	vsel vm8, $0x45B00000, v1;
	v2 =	vsel vm8, $0x46180000, v2  }
0x10: {  	v0 =	vsel vm11, $0x44400000, v0;
	v1 =	vsel vm5, $0x45B80000, v1;
	v2 =	vsel vm5, $0x461C0000, v2  }
0x11: {  	v5 =	vsel vm11, $0x46860000, v5;
	v1 =	vsel vm0, $0x45C00000, v1;
	v2 =	vsel vm0, $0x46200000, v2  }
0x12: {  	v6 =	vsel vm11, $0x46A60000, v6;
	v1 =	vsel vm1, $0x45C80000, v1;
	v2 =	vsel vm1, $0x46240000, v2  }
0x13: {  	v0 =	vsel vm10, $0x44800000, v0;
	v1 =	vsel vm2, $0x45D00000, v1;
	v2 =	vsel vm2, $0x46280000, v2  }
0x14: {  	v5 =	vsel vm10, $0x46880000, v5;
	v1 =	vsel vm3, $0x45D80000, v1;
	v2 =	vsel vm3, $0x462C0000, v2  }
0x15: {  	v6 =	vsel vm10, $0x46A80000, v6;
	v1 =	vsel vm4, $0x45E00000, v1;
	v2 =	vsel vm4, $0x46300000, v2  }
0x16: {  	v0 =	vsel vm9, $0x44A00000, v0;
	v3 =	vsel vm6, $0x45E80000, v1;
	v4 =	vsel vm6, $0x46340000, v2  }
0x17: {  	v2 =	vsel vm7, $0x45F00000, v3;
	v3 =	vsel vm7, $0x46380000, v4;
	v4 =	vimm.f32 $1.612800000e+04  }
0x18: {  	v5 =	vsel vm9, $0x468A0000, v5;
	v6 =	vsel vm9, $0x46AA0000, v6;
	v4 =	vsel vm14, $0x46400000, v4  }
0x19: {  	v0 =	vsel vm8, $0x44C00000, v0;
	v5 =	vsel vm8, $0x468C0000, v5;
	v4 =	vsel vm13, $0x46440000, v4  }
0x1a: {  	s0 =	rddreg [dreg:$0x0];
	v6 =	vsel vm8, $0x46AC0000, v6;
	v0 =	vsel vm5, $0x44E00000, v0;
	v4 =	vsel vm12, $0x46480000, v4  }
0x1b: {  	s3 =	rddreg [dreg:$0x1];
	v5 =	vsel vm5, $0x468E0000, v5;
	v6 =	vsel vm5, $0x46AE0000, v6;
	v4 =	vsel vm11, $0x464C0000, v4  }
0x1c: {  	s1 =	rddreg [dreg:$0x2];
	s5 =	srdreg.scid;
	v0 =	vsel vm0, $0x45000000, v0;
	v5 =	vsel vm0, $0x46900000, v5;
	v4 =	vsel vm10, $0x46500000, v4  }
0x1d: {  	s2 =	stileid.u32;
	s4 =	rddreg [dreg:$0x3];
	v6 =	vsel vm0, $0x46B00000, v6;
	v0 =	vsel vm1, $0x45100000, v0;
	v4 =	vsel vm9, $0x46540000, v4  }
0x1e: {  	s12 =	simm.s32 $0x5;
	s13 =	simm.s32 $0x6000;
	s14 =	simm.s32 $0x6080;
	v5 =	vsel vm1, $0x46920000, v5;
	v6 =	vsel vm1, $0x46B20000, v6;
	v4 =	vsel vm8, $0x46580000, v4  }
0x1f: {  	s15 =	simm.s32 $0x7C80;
	s16 =	simm.s32 $0x1;
	s17 =	simm.s32 $0x9880;
	v0 =	vsel vm2, $0x45200000, v0;
	v5 =	vsel vm2, $0x46940000, v5;
	v4 =	vsel vm5, $0x465C0000, v4  }
0x20: {  	s18 =	simm.s32 $0x2;
	s19 =	simm.s32 $0x4;
	s20 =	simm.s32 $0xB480;
	v6 =	vsel vm2, $0x46B40000, v6;
	v0 =	vsel vm3, $0x45300000, v0;
	v4 =	vsel vm0, $0x46600000, v4  }
0x21: {  	s21 =	simm.s32 $0x3;
	s6 =	sand.u32 $0x1, s5;
	s30 =	sshll.u32 s2, $0x1;
	v5 =	vsel vm3, $0x46960000, v5;
	v6 =	vsel vm3, $0x46B60000, v6;
	v4 =	vsel vm1, $0x46640000, v4  }
0x22: {  	s22 =	simm.s32 $0x0;
	s5 =	simm.s32 $0x0;
	s7 =	sor.u32 s6, s30;
	v0 =	vsel vm4, $0x45400000, v0;
	v5 =	vsel vm4, $0x46980000, v5;
	v4 =	vsel vm2, $0x46680000, v4  }
0x23: {  	s8 =	ssub.s32 $0x2, s6;
	[smem:$0x7FF] =	sst s5;
	s10 =	smul.u32 $0x6200, s7;
	v6 =	vsel vm4, $0x46B80000, v6;
	v0 =	vsel vm6, $0x45500000, v0;
	v4 =	vsel vm3, $0x466C0000, v4  }
0x24: {  	s6 =	smul.u32 $0x620, s7;
	s9 =	sshrl.u32 s8, $0x1;
	_ =	strace $0x80000047;
	v1 =	vimm.s32 $0x0;
	v5 =	vsel vm6, $0x469A0000, v5;
	v4 =	vsel vm4, $0x46700000, v4  }
0x25: {  	s7 =	sadd.s32 $0x400, s3;
	s31 =	ssub.s32 s8, s9;
	s8 =	sadd.s32 s0, s10;
	v6 =	vsel vm6, $0x46BA0000, v6;
	v0 =	vsel vm7, $0x45600000, v0;
	v4 =	vsel vm6, $0x46740000, v4  }
0x26: {  	s9 =	sadd.s32 $0x38, s6;
	s10 =	sadd.s32 $0x70, s6;
	s11 =	smax.u32 s31, $0x1;
	v5 =	vsel vm7, $0x469C0000, v5;
	v6 =	vsel vm7, $0x46BC0000, v6;
	v4 =	vsel vm7, $0x46780000, v4  }
.LBB2_1:
0x27: {  	[tilespmem:s5], [sflag:$0x5] =	stream.linear.gather [hbm4b:s1+s5], $0x6000, $0x38;
	[tilespmem:$0xD080] =	vst v63  }
0x28: {  	_ =	swait.ge [sflag:s12], $0x6000  }
0x29: {  	[sflag:s12] =	ssyncset.done $0x0  }
0x2a: {  	[sflag:s12] =	ssyncadd.s32 $0xFFFFA000  }
0x2b: {  	[tilespmem:s13], [sflag:$0x5] =	stream.linear.gather [hbm4b:s7+s5], $0x80, $0x38;
	[tilespmem:$0xD080] =	vst v63  }
0x2c: {  	_ =	swait.ge [sflag:s12], $0x80  }
0x2d: {  	[sflag:s12] =	ssyncset.done $0x0  }
0x2e: {  	[sflag:s12] =	ssyncadd.s32 $0xFFFFFF80  }
0x2f: {  	v7 =	vld [tilespmem:$0x6000]  }
0x30: {  	v8 =	vld [tilespmem:$0x6010]  }
0x31: {  	v9 =	vld [tilespmem:$0x6020]  }
0x32: {  	v10 =	vld [tilespmem:$0x6030]  }
0x33: {  	v11 =	vld [tilespmem:$0x6040]  }
0x34: {  	v12 =	vld [tilespmem:$0x6050];
	(erf) = vrcp.f32 v7  }
0x35: {  	(erf) = vrcp.f32 v8  }
0x36: {  	(erf) = vrcp.f32 v9  }
0x37: {  	(erf) = vrcp.f32 v10  }
0x38: {  	(erf) = vrcp.f32 v11  }
0x39: {  	(erf) = vrcp.f32 v12;
	_ =	sdelay $0x3  }
0x3a: {  	v13 =	vpop (erf)  }
0x3b: {  	v14 =	vpop (erf)  }
0x3c: {  	v15 =	vpop (erf)  }
0x3d: {  	v17 =	vsub.f32 $0.0e+00, v7;
	v18 =	vsub.f32 $0.0e+00, v8;
	v16 =	vpop (erf)  }
0x3e: {  	s23 =	simm.s32 $0x0;
	v20 =	vsub.f32 $0.0e+00, v9;
	v21 =	vsub.f32 $0.0e+00, v10;
	v19 =	vpop (erf)  }
0x3f: {  	[tilespmem:s14], [sflag:$0x1] =	stream.linear.gather [hbm4b:s8+s5], $0x1C00, $0x38;
	v22 =	vsub.f32 $0.0e+00, v11;
	v23 =	vsub.f32 $0.0e+00, v12;
	v24 =	vpop (erf);
	[tilespmem:$0xD080] =	vst v63  }
.LBB2_2:
0x40: {  	s25 =	smul.u32 $0x70, s23;
	_ =	sdelay $0x1  }
0x41: {  	s3 =	sadd.s32 s25, s9  }
0x42: {  	s24 =	sshll.u32 s3, $0x4  }
0x43: {  	s3 =	sadd.s32 s0, s24  }
0x44: {  	[tilespmem:s15], [sflag:$0x2] =	stream.linear.gather [hbm4b:s3+s5], $0x1C00, $0x38;
	[tilespmem:$0xD080] =	vst v63  }
0x45: {  	_ =	swait.ge [sflag:s16], $0x1C00  }
0x46: {  	p0 =	seq.s32 s23, $0x0;
	[sflag:s16] =	ssyncset.done $0x0  }
0x47: {  	s3 =	simm.s32 @!p0 $0x3;
	[sflag:s16] =	ssyncadd.s32 $0xFFFFE400  }
0x48: {  	_ =	swait.ge @!p0 [sflag:s3], $0x1C00  }
0x49: {  	[sflag:s3] =	ssyncset.done @!p0 $0x0  }
0x4a: {  	s26 =	simm.s32 $0x0;
	[sflag:s3] =	ssyncadd.s32 @!p0 $0xFFFFE400  }
0x4b: {  	v25 =	vld [tilespmem:s26+$0x6080];
	_ =	sdelay $0x4  }
0x4c: {  	v26 =	vld [tilespmem:s26+$0x60A0];
	v25 =	vmax.f32 v17, v25  }
0x4d: {  	v27 =	vld [tilespmem:s26+$0x60B0];
	v25 =	vmin.f32 v7, v25  }
0x4e: {  	v28 =	vld [tilespmem:s26+$0x6090];
	v25 =	vmul.f32 v25, v13  }
0x4f: {  	v30 =	vld [tilespmem:s26+$0x60D0]  }
0x50: {  	s28 =	simm.s32 $0x80;
	v31 =	vld [tilespmem:s26+$0x60C0];
	v25 =	vadd.f32 $1.000000000e+00, v25  }
0x51: {  	v34 =	vld [tilespmem:s28+$0x6080]  }
0x52: {  	v38 =	vld [tilespmem:s28+$0x60D0];
	v25 =	vmul.f32 $5.000000000e-01, v25;
	_ =	sdelay $0x1  }
0x53: {  	v26 =	vmax.f32 v20, v26;
	v27 =	vmax.f32 v21, v27;
	v25 =	vmul.f32 $2.550000000e+02, v25  }
0x54: {  	v28 =	vmax.f32 v18, v28;
	v30 =	vmax.f32 v23, v30;
	v31 =	vmax.f32 v22, v31  }
0x55: {  	v51 =	vmax.f32 v17, v34;
	v28 =	vmin.f32 v8, v28;
	v25 =	vadd.f32 v0, v25  }
0x56: {  	v38 =	vmax.f32 v23, v38;
	v27 =	vmin.f32 v10, v27;
	v28 =	vmul.f32 v28, v14  }
0x57: {  	v26 =	vmin.f32 v9, v26;
	v27 =	vmul.f32 v27, v16;
	v29 =	vtrunc.f32 v25  }
0x58: {  	v31 =	vmin.f32 v11, v31;
	v28 =	vadd.f32 $1.000000000e+00, v28;
	v29 =	vcvt.f32.s32 v29  }
0x59: {  	s29 =	simm.s32 $0x100;
	v26 =	vmul.f32 v26, v15;
	v31 =	vmul.f32 v31, v19;
	v27 =	vadd.f32 $1.000000000e+00, v27  }
0x5a: {  	v62 =	vld [tilespmem:s29+$0x60A0];
	v30 =	vmin.f32 v12, v30;
	v28 =	vmul.f32 $5.000000000e-01, v28;
	v32 =	vcvt.s32.f32 v29  }
0x5b: {  	v35 =	vld [tilespmem:s28+$0x60A0];
	v38 =	vmin.f32 v12, v38;
	v30 =	vmul.f32 v30, v24;
	v27 =	vmul.f32 $5.000000000e-01, v27  }
0x5c: {  	v38 =	vmul.f32 v38, v24;
	v28 =	vmul.f32 $2.550000000e+02, v28;
	vm0 =	vgt.f32 v25, v32  }
0x5d: {  	v40 =	vld [tilespmem:s28+$0x6090];
	v26 =	vadd.f32 $1.000000000e+00, v26;
	v27 =	vmul.f32 $2.550000000e+02, v27;
	v33 =	vsel vm0, $0x1, v1  }
0x5e: {  	v60 =	vadd.f32 $1.000000000e+00, v38;
	v37 =	vadd.f32 v2, v28;
	v33 =	vadd.s32 v29, v33  }
0x5f: {  	v38 =	vmax.f32 v20, v62;
	v28 =	vadd.f32 v4, v27;
	v27 =	vadd.f32 $1.000000000e+00, v31  }
0x60: {  	v35 =	vmax.f32 v20, v35;
	v30 =	vadd.f32 $1.000000000e+00, v30;
	v38 =	vmin.f32 v9, v38  }
0x61: {  	v26 =	vmul.f32 $5.000000000e-01, v26;
	v25 =	vsub.f32 v25, v32;
	v32 =	vmul.f32 $5.000000000e-01, v27;
	v27 =	vld [tilespmem:s28+$0x60B0]  }
0x62: {  	v40 =	vmax.f32 v18, v40;
	v35 =	vmin.f32 v9, v35;
	v38 =	vmul.f32 v38, v15;
	v29 =	vld.idx.msk [tilespmem:v29+s5+$0x0], $0xffff  }
0x63: {  	v30 =	vmul.f32 $5.000000000e-01, v30;
	v26 =	vmul.f32 $2.550000000e+02, v26;
	v31 =	vld.idx.msk [tilespmem:v33+s5+$0x0], $0xffff;
	v33 =	vmin.f32 v7, v51  }
0x64: {  	v38 =	vadd.f32 $1.000000000e+00, v38;
	v52 =	vtrunc.f32 v37;
	v33 =	vmul.f32 v33, v13  }
0x65: {  	v35 =	vmul.f32 v35, v15;
	v26 =	vadd.f32 v3, v26;
	v34 =	vcvt.f32.s32 v52  }
0x66: {  	v30 =	vmul.f32 $2.550000000e+02, v30;
	v38 =	vmul.f32 $5.000000000e-01, v38;
	v33 =	vadd.f32 $1.000000000e+00, v33  }
0x67: {  	v36 =	vtrunc.f32 v26;
	v41 =	vcvt.s32.f32 v34;
	v27 =	vmax.f32 v21, v27  }
0x68: {  	v27 =	vmin.f32 v10, v27;
	v29 =	vsub.f32 v29, v31;
	v33 =	vmul.f32 $5.000000000e-01, v33  }
0x69: {  	v45 =	vld [tilespmem:s29+$0x6080];
	v39 =	vtrunc.f32 v28;
	vm5 =	vgt.f32 v37, v41;
	v27 =	vmul.f32 v27, v16  }
0x6a: {  	v53 =	vsel vm5, $0x1, v1;
	v25 =	vmul.f32 v25, v29;
	v33 =	vmul.f32 $2.550000000e+02, v33  }
0x6b: {  	v44 =	vld [tilespmem:s29+$0x60D0];
	v27 =	vadd.f32 $1.000000000e+00, v27;
	v29 =	vadd.f32 $1.000000000e+00, v35;
	v35 =	vadd.s32 v34, v53  }
0x6c: {  	v42 =	vld [tilespmem:s28+$0x60C0];
	v33 =	vadd.f32 v0, v33;
	v25 =	vadd.f32 v25, v31;
	v31 =	vmin.f32 v8, v40  }
0x6d: {  	v38 =	vmul.f32 $2.550000000e+02, v38;
	v31 =	vmul.f32 v31, v14  }
0x6e: {  	v52 =	vmax.f32 v17, v45;
	v27 =	vmul.f32 $5.000000000e-01, v27;
	v54 =	vtrunc.f32 v33;
	[tilespmem:s26+$0x9880] =	vst v25  }
0x6f: {  	v39 =	vcvt.f32.s32 v39;
	v40 =	vcvt.f32.s32 v54;
	v34 =	vld.idx.msk [tilespmem:v34+s5+$0x0], $0xffff;
	v25 =	vadd.f32 $1.000000000e+00, v31  }
0x70: {  	v37 =	vsub.f32 v37, v41;
	v51 =	vmax.f32 v23, v44;
	v27 =	vmul.f32 $2.550000000e+02, v27;
	v35 =	vld.idx.msk [tilespmem:v35+s5+$0x0], $0xffff  }
0x71: {  	v31 =	vmax.f32 v22, v42;
	v55 =	vcvt.s32.f32 v40;
	v43 =	vmul.f32 $5.000000000e-01, v25  }
0x72: {  	v25 =	vadd.f32 v6, v30;
	v30 =	vmin.f32 v11, v31;
	v31 =	vcvt.f32.s32 v36  }
0x73: {  	v53 =	vmul.f32 $2.550000000e+02, v32;
	v27 =	vadd.f32 v4, v27;
	v29 =	vmul.f32 $5.000000000e-01, v29  }
0x74: {  	v30 =	vmul.f32 v30, v19;
	vm6 =	vgt.f32 v33, v55;
	v59 =	vcvt.s32.f32 v31  }
0x75: {  	v46 =	vld [tilespmem:s29+$0x60B0];
	v29 =	vmul.f32 $2.550000000e+02, v29;
	v57 =	vsel vm6, $0x1, v1;
	v34 =	vsub.f32 v34, v35  }
0x76: {  	v30 =	vadd.f32 $1.000000000e+00, v30;
	v58 =	vld.idx.msk [tilespmem:v40+s5+$0x0], $0xffff;
	v40 =	vadd.s32 v40, v57;
	vm7 =	vgt.f32 v26, v59  }
0x77: {  	v29 =	vadd.f32 v3, v29;
	v34 =	vmul.f32 v37, v34;
	v61 =	vsel vm7, $0x1, v1  }
0x78: {  	v62 =	vld [tilespmem:s29+$0x60C0];
	v56 =	vmul.f32 $2.550000000e+02, v43;
	v48 =	vmul.f32 $5.000000000e-01, v30;
	v30 =	vadd.s32 v31, v61  }
0x79: {  	v49 =	vtrunc.f32 v27;
	v33 =	vsub.f32 v33, v55;
	v34 =	vadd.f32 v34, v35  }
0x7a: {  	v42 =	vtrunc.f32 v29;
	v36 =	vadd.f32 v2, v56;
	v26 =	vsub.f32 v26, v59  }
0x7b: {  	v42 =	vcvt.f32.s32 v42;
	v56 =	vmin.f32 v7, v52;
	v57 =	vmax.f32 v21, v46;
	v63 =	vld.idx.msk [tilespmem:v40+s5+$0x0], $0xffff;
	[tilespmem:s26+$0x9890] =	vst v34  }
0x7c: {  	v37 =	vmul.f32 $5.000000000e-01, v60;
	v32 =	vmul.f32 v56, v13;
	v44 =	vmin.f32 v10, v57;
	v31 =	vld.idx.msk [tilespmem:v31+s5+$0x0], $0xffff  }
0x7d: {  	v47 =	vtrunc.f32 v36;
	v60 =	vmul.f32 v44, v16;
	v44 =	vmax.f32 v22, v62;
	v30 =	vld.idx.msk [tilespmem:v30+s5+$0x0], $0xffff  }
0x7e: {  	v50 =	vcvt.f32.s32 v47;
	v37 =	vmul.f32 $2.550000000e+02, v37;
	v44 =	vmin.f32 v11, v44  }
0x7f: {  	v32 =	vadd.f32 $1.000000000e+00, v32;
	v44 =	vmul.f32 v44, v19;
	v40 =	vtrunc.f32 v25  }
0x80: {  	v59 =	vld [tilespmem:s29+$0x6090];
	v34 =	vmin.f32 v12, v51;
	v43 =	vsub.f32 v58, v63;
	v58 =	vcvt.s32.f32 v50  }
0x81: {  	v45 =	vadd.f32 v5, v53;
	v32 =	vmul.f32 $5.000000000e-01, v32;
	v62 =	vmul.f32 v34, v24  }
0x82: {  	v33 =	vmul.f32 v33, v43;
	vm8 =	vgt.f32 v36, v58;
	v31 =	vsub.f32 v31, v30  }
0x83: {  	v32 =	vmul.f32 $2.550000000e+02, v32;
	v43 =	vadd.f32 $1.000000000e+00, v60;
	v61 =	vsel vm8, $0x1, v1  }
0x84: {  	v33 =	vadd.f32 v33, v63;
	v35 =	vadd.s32 v50, v61;
	v26 =	vmul.f32 v26, v31  }
0x85: {  	v31 =	vmax.f32 v18, v59;
	v63 =	vadd.f32 v0, v32;
	v32 =	vadd.f32 v3, v38  }
0x86: {  	v43 =	vmul.f32 $5.000000000e-01, v43;
	v61 =	vcvt.s32.f32 v42;
	v31 =	vmin.f32 v8, v31  }
0x87: {  	v30 =	vadd.f32 v26, v30;
	v26 =	vmul.f32 v31, v14;
	v31 =	vcvt.s32.f32 v39  }
0x88: {  	v44 =	vadd.f32 $1.000000000e+00, v44;
	v54 =	vtrunc.f32 v63;
	v41 =	vtrunc.f32 v32  }
0x89: {  	v36 =	vsub.f32 v36, v58;
	[tilespmem:s28+$0x9880] =	vst v33;
	v43 =	vmul.f32 $2.550000000e+02, v43;
	v33 =	vcvt.f32.s32 v54  }
0x8a: {  	vm11 =	vgt.f32 v29, v61;
	v46 =	vsub.f32 v29, v61;
	v55 =	vld.idx.msk [tilespmem:v50+s5+$0x0], $0xffff;
	v26 =	vadd.f32 $1.000000000e+00, v26  }
0x8b: {  	v54 =	vsel vm11, $0x1, v1;
	vm9 =	vgt.f32 v28, v31;
	v35 =	vld.idx.msk [tilespmem:v35+s5+$0x0], $0xffff;
	v56 =	vcvt.s32.f32 v33  }
0x8c: {  	s30 =	simm.s32 $0x180;
	[tilespmem:s26+$0x98A0] =	vst v30;
	v30 =	vadd.f32 v4, v43;
	v50 =	vsel vm9, $0x1, v1;
	v26 =	vmul.f32 $5.000000000e-01, v26  }
0x8d: {  	v53 =	vld [tilespmem:s30+$0x6080];
	v54 =	vadd.s32 v42, v54;
	v50 =	vadd.s32 v39, v50;
	vm10 =	vgt.f32 v63, v56  }
0x8e: {  	v34 =	vtrunc.f32 v30;
	v51 =	vmul.f32 $2.550000000e+02, v26;
	v58 =	vsel vm10, $0x1, v1  }
0x8f: {  	v26 =	vadd.f32 v6, v37;
	v52 =	vld.idx.msk [tilespmem:v33+s5+$0x0], $0xffff;
	v59 =	vadd.s32 v33, v58;
	v33 =	vmul.f32 $5.000000000e-01, v44  }
0x90: {  	v44 =	vsub.f32 v63, v56;
	v63 =	vld [tilespmem:s30+$0x60D0];
	v58 =	vtrunc.f32 v45;
	v57 =	vsub.f32 v55, v35  }
0x91: {  	v39 =	vld.idx.msk [tilespmem:v39+s5+$0x0], $0xffff;
	v38 =	vadd.f32 v2, v51;
	v51 =	vcvt.f32.s32 v58;
	v29 =	vtrunc.f32 v26  }
0x92: {  	v47 =	vld.idx.msk [tilespmem:v50+s5+$0x0], $0xffff;
	v50 =	vadd.f32 $1.000000000e+00, v62;
	v62 =	vmax.f32 v17, v53;
	v36 =	vmul.f32 v36, v57  }
0x93: {  	v55 =	vld [tilespmem:s30+$0x60B0];
	v60 =	vtrunc.f32 v38;
	v56 =	vcvt.s32.f32 v51;
	v57 =	vsub.f32 v28, v31  }
0x94: {  	v50 =	vmul.f32 $5.000000000e-01, v50;
	v43 =	vcvt.f32.s32 v60;
	v36 =	vadd.f32 v36, v35  }
0x95: {  	v31 =	vld [tilespmem:s30+$0x60A0];
	v28 =	vmax.f32 v23, v63;
	v58 =	vsub.f32 v45, v56;
	vm12 =	vgt.f32 v45, v56  }
0x96: {  	v37 =	vld.idx.msk [tilespmem:v59+s5+$0x0], $0xffff;
	v56 =	vcvt.f32.s32 v49;
	v49 =	vmin.f32 v7, v62;
	v50 =	vmul.f32 $2.550000000e+02, v50  }
0x97: {  	v35 =	vmin.f32 v12, v28;
	v28 =	vcvt.f32.s32 v40;
	v59 =	vsel vm12, $0x1, v1  }
0x98: {  	v60 =	vmax.f32 v21, v55;
	v49 =	vmul.f32 v49, v13;
	v39 =	vsub.f32 v39, v47  }
0x99: {  	[tilespmem:s28+$0x9890] =	vst v36;
	v36 =	vmul.f32 $2.550000000e+02, v48;
	v45 =	vmin.f32 v10, v60;
	v60 =	vcvt.s32.f32 v43  }
0x9a: {  	v42 =	vld.idx.msk [tilespmem:v42+s5+$0x0], $0xffff;
	v63 =	vmax.f32 v20, v31;
	v31 =	vcvt.s32.f32 v28;
	v45 =	vmul.f32 v45, v16  }
0x9b: {  	v49 =	vadd.f32 $1.000000000e+00, v49;
	v53 =	vmin.f32 v9, v63;
	v61 =	vsub.f32 v52, v37;
	v52 =	vld.idx.msk [tilespmem:v54+s5+$0x0], $0xffff  }
0x9c: {  	v40 =	vadd.s32 v51, v59;
	v39 =	vmul.f32 v57, v39;
	v59 =	vmul.f32 v53, v15  }
0x9d: {  	vm1 =	vgt.f32 v38, v60;
	vm13 =	vgt.f32 v25, v31;
	v49 =	vmul.f32 $5.000000000e-01, v49  }
0x9e: {  	v55 =	vsel vm1, $0x1, v1;
	v44 =	vmul.f32 v44, v61;
	v61 =	vld [tilespmem:s30+$0x6090];
	v48 =	vadd.f32 $1.000000000e+00, v59  }
0x9f: {  	v45 =	vadd.f32 $1.000000000e+00, v45;
	v47 =	vadd.f32 v39, v47;
	v57 =	vmul.f32 $2.550000000e+02, v49  }
0xa0: {  	v63 =	vld [tilespmem:s30+$0x60C0];
	v62 =	vmul.f32 $5.000000000e-01, v48;
	v48 =	vadd.s32 v43, v55;
	v42 =	vsub.f32 v42, v52  }
0xa1: {  	v54 =	vsub.f32 v38, v60;
	v39 =	vcvt.s32.f32 v56;
	v37 =	vadd.f32 v44, v37  }
0xa2: {  	v45 =	vmul.f32 $5.000000000e-01, v45;
	[tilespmem:s26+$0x98B0] =	vst v47;
	v42 =	vmul.f32 v46, v42;
	v46 =	vadd.f32 v0, v57  }
0xa3: {  	v49 =	vcvt.f32.s32 v41;
	vm14 =	vgt.f32 v27, v39;
	v47 =	vld.idx.msk [tilespmem:v51+s5+$0x0], $0xffff;
	[tilespmem:s29+$0x9880] =	vst v37;
	v59 =	vmax.f32 v18, v61  }
0xa4: {  	v53 =	vld.idx.msk [tilespmem:v43+s5+$0x0], $0xffff;
	v52 =	vadd.f32 v42, v52;
	v42 =	vmin.f32 v8, v59;
	v60 =	vtrunc.f32 v46  }
0xa5: {  	v44 =	vmax.f32 v22, v63;
	v57 =	vld.idx.msk [tilespmem:v48+s5+$0x0], $0xffff;
	v61 =	vmul.f32 v42, v14;
	v55 =	vcvt.f32.s32 v60  }
0xa6: {  	v40 =	vld.idx.msk [tilespmem:v40+s5+$0x0], $0xffff;
	v45 =	vmul.f32 $2.550000000e+02, v45;
	v44 =	vmin.f32 v11, v44;
	v38 =	vmul.f32 $2.550000000e+02, v62  }
0xa7: {  	v37 =	vadd.f32 v5, v36;
	v62 =	vadd.f32 $1.000000000e+00, v61;
	v63 =	vcvt.s32.f32 v55  }
0xa8: {  	v36 =	vadd.f32 v6, v50;
	v42 =	vadd.f32 v3, v38;
	v60 =	vsel vm14, $0x1, v1  }
0xa9: {  	v59 =	vadd.s32 v56, v60;
	v43 =	vmul.f32 $5.000000000e-01, v62;
	vm15 =	vgt.f32 v46, v63  }
0xaa: {  	v48 =	vsub.f32 v46, v63;
	v62 =	vmul.f32 v44, v19;
	v63 =	vsub.f32 v53, v57  }
0xab: {  	v60 =	vsub.f32 v47, v40;
	v38 =	vtrunc.f32 v42;
	v61 =	vmul.f32 $2.550000000e+02, v43  }
0xac: {  	[tilespmem:s28+$0x98A0] =	vst v52;
	v41 =	vsel vm15, $0x1, v1;
	v46 =	vadd.f32 $1.000000000e+00, v62;
	v52 =	vmul.f32 v54, v63  }
0xad: {  	v43 =	vadd.f32 v4, v45;
	v51 =	vld.idx.msk [tilespmem:v55+s5+$0x0], $0xffff;
	v55 =	vadd.s32 v55, v41;
	v45 =	vadd.f32 v2, v61  }
0xae: {  	v50 =	vld.idx.msk [tilespmem:v56+s5+$0x0], $0xffff;
	v47 =	vmul.f32 $5.000000000e-01, v46;
	v54 =	vadd.f32 v52, v57;
	v52 =	vcvt.s32.f32 v49  }
0xaf: {  	s31 =	simm.s32 $0x800;
	v44 =	vsel vm13, $0x1, v1;
	v41 =	vld.idx.msk [tilespmem:v59+s5+$0x0], $0xffff;
	v46 =	vmul.f32 v58, v60;
	v53 =	vtrunc.f32 v45  }
.LBB2_3:
0xb0: {  	s3 =	sshra.s32 s31, $0x2;
	p1 =	sne.s32 s31, $0x6E00;
	s31 =	sadd.s32 $0x200, s31;
	v56 =	vtrunc.f32 v43;
	v35 =	vmul.f32 v35, v24;
	v44 =	vadd.s32 v28, v44  }
0xb1: {  	v57 =	vld [tilespmem:s3+$0x60D0];
	[tilespmem:s29+$0x9890] =	vst v54;
	v54 =	vsub.f32 v32, v52;
	vm0 =	vgt.f32 v32, v52;
	v52 =	vtrunc.f32 v37;
	v32 =	vmovc v42  }
0xb2: {  	v42 =	vld [tilespmem:s3+$0x6080];
	v35 =	vadd.f32 $1.000000000e+00, v35;
	v58 =	vsel vm0, $0x1, v1;
	v52 =	vcvt.f32.s32 v52  }
0xb3: {  	v59 =	vtrunc.f32 v36;
	v40 =	vadd.f32 v46, v40;
	v55 =	vld.idx.msk [tilespmem:v55+s5+$0x0], $0xffff;
	v58 =	vadd.s32 v49, v58  }
0xb4: {  	v39 =	vsub.f32 v27, v39;
	v27 =	vmovc v30;
	v30 =	vmovc v43;
	v60 =	vld [tilespmem:s3+$0x60B0];
	v35 =	vmul.f32 $5.000000000e-01, v35;
	v61 =	vcvt.s32.f32 v52  }
0xb5: {  	v53 =	vcvt.f32.s32 v53;
	v50 =	vsub.f32 v50, v41;
	v43 =	vld [tilespmem:s3+$0x60A0];
	[tilespmem:s26+$0x98C0] =	vst v40;
	v40 =	vsub.f32 v25, v31;
	v25 =	vmovc v26  }
0xb6: {  	v26 =	vmovc v36;
	v31 =	vmax.f32 v23, v57;
	v57 =	vmul.f32 $2.550000000e+02, v35;
	v46 =	vsub.f32 v37, v61;
	v44 =	vld.idx.msk [tilespmem:v44+s5+$0x0], $0xffff  }
0xb7: {  	vm0 =	vgt.f32 v37, v61;
	v35 =	vmin.f32 v12, v31;
	v36 =	vld.idx.msk [tilespmem:v28+s5+$0x0], $0xffff;
	v28 =	vcvt.f32.s32 v29;
	v29 =	vmovc v59  }
0xb8: {  	v59 =	vcvt.f32.s32 v34;
	v31 =	vsel vm0, $0x1, v1;
	v34 =	vmovc v56;
	v37 =	vld.idx.msk [tilespmem:v49+s5+$0x0], $0xffff;
	v49 =	vmul.f32 $2.550000000e+02, v33;
	v33 =	vmovc v47  }
0xb9: {  	v51 =	vsub.f32 v51, v55;
	v47 =	vmax.f32 v21, v60;
	v56 =	vld.idx.msk [tilespmem:v58+s5+$0x0], $0xffff;
	v58 =	vadd.s32 v52, v31  }
0xba: {  	v42 =	vmax.f32 v17, v42;
	v31 =	vcvt.s32.f32 v28;
	v43 =	vmax.f32 v20, v43  }
0xbb: {  	v42 =	vmin.f32 v7, v42;
	v48 =	vmul.f32 v48, v51;
	v43 =	vmin.f32 v9, v43  }
0xbc: {  	v42 =	vmul.f32 v42, v13;
	v47 =	vmin.f32 v10, v47;
	vm0 =	vgt.f32 v25, v31  }
0xbd: {  	v47 =	vmul.f32 v47, v16;
	v43 =	vmul.f32 v43, v15;
	v48 =	vadd.f32 v48, v55  }
0xbe: {  	v51 =	vcvt.s32.f32 v53;
	v42 =	vadd.f32 $1.000000000e+00, v42;
	v36 =	vsub.f32 v36, v44  }
0xbf: {  	v39 =	vmul.f32 v39, v50;
	v43 =	vadd.f32 $1.000000000e+00, v43;
	v37 =	vsub.f32 v37, v56;
	v55 =	vld [tilespmem:s3+$0x6090]  }
0xc0: {  	v60 =	vsub.f32 v45, v51;
	vm1 =	vgt.f32 v45, v51;
	v42 =	vmul.f32 $5.000000000e-01, v42;
	v50 =	vld [tilespmem:s3+$0x60C0]  }
0xc1: {  	v45 =	vsel vm1, $0x1, v1;
	v43 =	vmul.f32 $5.000000000e-01, v43;
	v37 =	vmul.f32 v54, v37  }
0xc2: {  	v47 =	vadd.f32 $1.000000000e+00, v47;
	v45 =	vadd.s32 v53, v45;
	v42 =	vmul.f32 $2.550000000e+02, v42  }
0xc3: {  	v41 =	vadd.f32 v39, v41;
	v43 =	vmul.f32 $2.550000000e+02, v43;
	v37 =	vadd.f32 v37, v56  }
0xc4: {  	v36 =	vmul.f32 v40, v36;
	v51 =	vadd.f32 v0, v42;
	v39 =	vmax.f32 v18, v55  }
0xc5: {  	v40 =	vmin.f32 v8, v39;
	v50 =	vmax.f32 v22, v50;
	[tilespmem:s30+$0x9880] =	vst v48;
	v39 =	vcvt.s32.f32 v59  }
0xc6: {  	v42 =	vadd.f32 v3, v43;
	v48 =	vtrunc.f32 v51;
	v40 =	vmul.f32 v40, v14;
	v53 =	vld.idx.msk [tilespmem:v53+s5+$0x0], $0xffff;
	[tilespmem:s29+$0x98A0] =	vst v37  }
0xc7: {  	v36 =	vadd.f32 v36, v44;
	v54 =	vcvt.f32.s32 v48;
	v56 =	vld.idx.msk [tilespmem:v45+s5+$0x0], $0xffff;
	vm1 =	vgt.f32 v27, v39;
	[tilespmem:s28+$0x98B0] =	vst v41  }
0xc8: {  	v43 =	vmul.f32 $5.000000000e-01, v47;
	v55 =	vtrunc.f32 v42;
	v41 =	vadd.f32 $1.000000000e+00, v40;
	v47 =	vld.idx.msk [tilespmem:v52+s5+$0x0], $0xffff  }
0xc9: {  	v37 =	vadd.f32 v5, v49;
	v44 =	vcvt.s32.f32 v54;
	v45 =	vsel vm1, $0x1, v1;
	v40 =	vld.idx.msk [tilespmem:v58+s5+$0x0], $0xffff;
	[tilespmem:s26+$0x98D0] =	vst v36;
	s26 =	smov.u32 s28;
	s28 =	smov.u32 s29;
	s29 =	smov.u32 s30  }
0xca: {  	v43 =	vmul.f32 $2.550000000e+02, v43;
	v36 =	vadd.f32 v6, v57;
	s30 =	smov.u32 s3;
	v41 =	vmul.f32 $5.000000000e-01, v41  }
0xcb: {  	v49 =	vmin.f32 v11, v50;
	v57 =	vadd.s32 v59, v45;
	vm1 =	vgt.f32 v51, v44  }
0xcc: {  	v49 =	vmul.f32 v49, v19;
	v48 =	vsub.f32 v51, v44;
	v41 =	vmul.f32 $2.550000000e+02, v41  }
.Ltmp0:
0xcd: {  	v43 =	vadd.f32 v4, v43;
	v44 =	vsel vm0, $0x1, v1;
	v50 =	vsub.f32 v53, v56;
	v51 =	vld.idx.msk [tilespmem:v54+s5+$0x0], $0xffff;
	(pc) =	sbr.rel @p1 .LBB2_3-.Ltmp0, $4  }
0xce: {  	v45 =	vadd.f32 v2, v41;
	v41 =	vadd.f32 $1.000000000e+00, v49;
	v49 =	vcvt.f32.s32 v38;
	v38 =	vmovc v55  }
0xcf: {  	v52 =	vsel vm1, $0x1, v1;
	v58 =	vmul.f32 v60, v50;
	v60 =	vsub.f32 v47, v40  }
0xd0: {  	v55 =	vadd.s32 v54, v52;
	v53 =	vtrunc.f32 v45;
	v47 =	vmul.f32 $5.000000000e-01, v41;
	v50 =	vld.idx.msk [tilespmem:v59+s5+$0x0], $0xffff  }
0xd1: {  	v54 =	vadd.f32 v58, v56;
	v52 =	vcvt.s32.f32 v49;
	v46 =	vmul.f32 v46, v60;
	v41 =	vld.idx.msk [tilespmem:v57+s5+$0x0], $0xffff  }
0xd2: {  	_ =	sdelay $0x3  }
0xd3: {  	v55 =	vld.idx.msk [tilespmem:v55+s5+$0x0], $0xffff;
	_ =	sdelay $0x1  }
0xd4: {  	v53 =	vcvt.f32.s32 v53;
	_ =	sdelay $0x1  }
0xd5: {  	v56 =	vcvt.s32.f32 v53  }
0xd6: {  	v51 =	vsub.f32 v51, v55  }
0xd7: {  	vm0 =	vgt.f32 v45, v56  }
0xd8: {  	v57 =	vsel vm0, $0x1, v1;
	v48 =	vmul.f32 v48, v51  }
0xd9: {  	v51 =	vadd.s32 v53, v57  }
0xda: {  	v48 =	vadd.f32 v48, v55;
	_ =	sdelay $0x1  }
0xdb: {  	[tilespmem:s30+$0x9880] =	vst v48  }
0xdc: {  	v48 =	vld.idx.msk [tilespmem:v53+s5+$0x0], $0xffff  }
0xdd: {  	v51 =	vld.idx.msk [tilespmem:v51+s5+$0x0], $0xffff;
	_ =	sdelay $0x1  }
0xde: {  	v38 =	vcvt.f32.s32 v38  }
0xdf: {  	vm6 =	vgt.f32 v32, v52  }
0xe0: {  	v58 =	vsel vm6, $0x1, v1;
	v59 =	vcvt.s32.f32 v38  }
0xe1: {  	v60 =	vsub.f32 v45, v56;
	v53 =	vadd.s32 v49, v58;
	v48 =	vsub.f32 v48, v51  }
0xe2: {  	vm7 =	vgt.f32 v42, v59  }
0xe3: {  	v61 =	vsel vm7, $0x1, v1;
	v45 =	vmul.f32 v60, v48  }
0xe4: {  	[tilespmem:s29+$0x9890] =	vst v54;
	v48 =	vadd.s32 v38, v61  }
0xe5: {  	v62 =	vld.idx.msk [tilespmem:v49+s5+$0x0], $0xffff;
	v45 =	vadd.f32 v45, v51  }
0xe6: {  	v63 =	vld.idx.msk [tilespmem:v53+s5+$0x0], $0xffff  }
0xe7: {  	[tilespmem:s30+$0x9890] =	vst v45  }
0xe8: {  	v34 =	vcvt.f32.s32 v34;
	v38 =	vld.idx.msk [tilespmem:v38+s5+$0x0], $0xffff  }
0xe9: {  	v45 =	vld.idx.msk [tilespmem:v48+s5+$0x0], $0xffff  }
0xea: {  	v56 =	vtrunc.f32 v43;
	v53 =	vcvt.s32.f32 v34  }
0xeb: {  	v57 =	vsub.f32 v32, v52;
	v49 =	vsub.f32 v62, v63;
	v48 =	vcvt.f32.s32 v56  }
0xec: {  	vm8 =	vgt.f32 v30, v53  }
0xed: {  	v58 =	vsel vm8, $0x1, v1;
	v32 =	vmul.f32 v57, v49;
	v52 =	vcvt.s32.f32 v48  }
0xee: {  	v59 =	vsub.f32 v42, v59;
	v49 =	vadd.s32 v34, v58;
	v38 =	vsub.f32 v38, v45  }
0xef: {  	v32 =	vadd.f32 v32, v63;
	vm9 =	vgt.f32 v43, v52  }
0xf0: {  	v61 =	vsel vm9, $0x1, v1;
	v38 =	vmul.f32 v59, v38  }
0xf1: {  	v33 =	vmul.f32 $2.550000000e+02, v33;
	v60 =	vtrunc.f32 v37;
	[tilespmem:s29+$0x98A0] =	vst v32;
	v62 =	vadd.s32 v48, v61  }
0xf2: {  	v47 =	vmul.f32 $2.550000000e+02, v47;
	v51 =	vcvt.f32.s32 v60;
	v34 =	vld.idx.msk [tilespmem:v34+s5+$0x0], $0xffff;
	v38 =	vadd.f32 v38, v45  }
0xf3: {  	v35 =	vmul.f32 v35, v24;
	v33 =	vadd.f32 v5, v33;
	v45 =	vld.idx.msk [tilespmem:v49+s5+$0x0], $0xffff  }
0xf4: {  	v27 =	vsub.f32 v27, v39;
	v47 =	vadd.f32 v5, v47;
	v42 =	vcvt.s32.f32 v51;
	[tilespmem:s30+$0x98A0] =	vst v38  }
0xf5: {  	v35 =	vadd.f32 $1.000000000e+00, v35;
	v54 =	vtrunc.f32 v33;
	v63 =	vsub.f32 v50, v41;
	v48 =	vld.idx.msk [tilespmem:v48+s5+$0x0], $0xffff  }
0xf6: {  	v55 =	vcvt.f32.s32 v54;
	v58 =	vtrunc.f32 v47;
	vm10 =	vgt.f32 v37, v42;
	v32 =	vld.idx.msk [tilespmem:v62+s5+$0x0], $0xffff  }
0xf7: {  	v56 =	vsel vm10, $0x1, v1;
	v50 =	vcvt.f32.s32 v58;
	v27 =	vmul.f32 v27, v63  }
0xf8: {  	v59 =	vsub.f32 v30, v53;
	v49 =	vcvt.s32.f32 v55;
	v34 =	vsub.f32 v34, v45  }
0xf9: {  	v35 =	vmul.f32 $5.000000000e-01, v35;
	v57 =	vadd.s32 v51, v56;
	v27 =	vadd.f32 v27, v41  }
0xfa: {  	vm11 =	vgt.f32 v33, v49;
	v30 =	vmul.f32 v59, v34;
	v34 =	vcvt.s32.f32 v50  }
0xfb: {  	v61 =	vsub.f32 v43, v52;
	v60 =	vsel vm11, $0x1, v1;
	v62 =	vsub.f32 v48, v32  }
0xfc: {  	v35 =	vmul.f32 $2.550000000e+02, v35;
	[tilespmem:s28+$0x98B0] =	vst v27;
	v27 =	vadd.s32 v55, v60;
	vm12 =	vgt.f32 v47, v34  }
0xfd: {  	v63 =	vld.idx.msk [tilespmem:v51+s5+$0x0], $0xffff;
	v30 =	vadd.f32 v30, v45;
	v51 =	vsel vm12, $0x1, v1;
	v41 =	vmul.f32 v61, v62  }
0xfe: {  	v35 =	vadd.f32 v6, v35;
	v39 =	vld.idx.msk [tilespmem:v57+s5+$0x0], $0xffff;
	v52 =	vadd.s32 v50, v51  }
0xff: {  	[tilespmem:s29+$0x98B0] =	vst v30;
	v32 =	vadd.f32 v41, v32  }
0x100: {  	v29 =	vcvt.f32.s32 v29;
	v58 =	vtrunc.f32 v35;
	v38 =	vld.idx.msk [tilespmem:v55+s5+$0x0], $0xffff  }
0x101: {  	v40 =	vadd.f32 v46, v40;
	v53 =	vtrunc.f32 v36;
	v60 =	vcvt.f32.s32 v58;
	v27 =	vld.idx.msk [tilespmem:v27+s5+$0x0], $0xffff;
	[tilespmem:s30+$0x98B0] =	vst v32  }
0x102: {  	v54 =	vadd.s32 v28, v44;
	v43 =	vcvt.s32.f32 v29;
	v41 =	vcvt.f32.s32 v53;
	v57 =	vld.idx.msk [tilespmem:v50+s5+$0x0], $0xffff  }
0x103: {  	v56 =	vsub.f32 v63, v39;
	v63 =	vcvt.s32.f32 v60;
	v55 =	vsub.f32 v37, v42;
	v30 =	vld.idx.msk [tilespmem:v52+s5+$0x0], $0xffff  }
0x104: {  	vm13 =	vgt.f32 v26, v43;
	v33 =	vsub.f32 v33, v49;
	v46 =	vcvt.s32.f32 v41  }
0x105: {  	v59 =	vsel vm13, $0x1, v1;
	vm15 =	vgt.f32 v35, v63;
	v37 =	vmul.f32 v55, v56  }
0x106: {  	v61 =	vadd.s32 v29, v59;
	vm14 =	vgt.f32 v36, v46;
	v38 =	vsub.f32 v38, v27  }
0x107: {  	[tilespmem:s26+$0x98C0] =	vst v40;
	v34 =	vsub.f32 v47, v34;
	v37 =	vadd.f32 v37, v39;
	v62 =	vsel vm14, $0x1, v1  }
0x108: {  	v53 =	vld.idx.msk [tilespmem:v28+s5+$0x0], $0xffff;
	v51 =	vadd.s32 v41, v62;
	v33 =	vmul.f32 v33, v38;
	v52 =	vsub.f32 v57, v30  }
0x109: {  	v32 =	vld.idx.msk [tilespmem:v54+s5+$0x0], $0xffff;
	v54 =	vsel vm15, $0x1, v1  }
0x10a: {  	v56 =	vadd.s32 v60, v54;
	[tilespmem:s28+$0x98C0] =	vst v37;
	v27 =	vadd.f32 v33, v27;
	v55 =	vmul.f32 v34, v52  }
0x10b: {  	v37 =	vld.idx.msk [tilespmem:v61+s5+$0x0], $0xffff  }
0x10c: {  	v29 =	vld.idx.msk [tilespmem:v29+s5+$0x0], $0xffff;
	[tilespmem:s29+$0x98C0] =	vst v27;
	v27 =	vadd.f32 v55, v30  }
0x10d: {  	v57 =	vld.idx.msk [tilespmem:v51+s5+$0x0], $0xffff  }
0x10e: {  	v58 =	vld.idx.msk [tilespmem:v41+s5+$0x0], $0xffff;
	[tilespmem:s30+$0x98C0] =	vst v27  }
0x10f: {  	v27 =	vld.idx.msk [tilespmem:v56+s5+$0x0], $0xffff  }
0x110: {  	v59 =	vld.idx.msk [tilespmem:v60+s5+$0x0], $0xffff;
	_ =	sdelay $0x1  }
0x111: {  	v25 =	vsub.f32 v25, v31;
	v28 =	vsub.f32 v53, v32  }
0x112: {  	v26 =	vsub.f32 v26, v43;
	v29 =	vsub.f32 v29, v37  }
0x113: {  	v25 =	vmul.f32 v25, v28;
	v60 =	vsub.f32 v36, v46;
	v61 =	vsub.f32 v58, v57  }
0x114: {  	v62 =	vsub.f32 v35, v63;
	v26 =	vmul.f32 v26, v29;
	v63 =	vsub.f32 v59, v27  }
0x115: {  	v25 =	vadd.f32 v25, v32;
	v28 =	vmul.f32 v60, v61  }
0x116: {  	p1 =	sne.s32 s23, $0xD;
	v26 =	vadd.f32 v26, v37;
	v29 =	vmul.f32 v62, v63  }
.Ltmp1:
0x117: {  	[tilespmem:s26+$0x98D0] =	vst v25;
	v25 =	vadd.f32 v28, v57;
	(pc) =	sbr.rel @p1 .LBB2_6-.Ltmp1, $4  }
0x118: {  	s3 =	sadd.s32 s6, s25;
	[tilespmem:s28+$0x98D0] =	vst v26;
	v26 =	vadd.f32 v29, v27  }
0x119: {  	s3 =	sshll.u32 s3, $0x4;
	[tilespmem:s29+$0x98D0] =	vst v25  }
0x11a: {  	s3 =	sadd.s32 s4, s3;
	[tilespmem:s30+$0x98D0] =	vst v26  }
0x11b: {  	[hbm4b:s3+s5] =	stream.linear.scatter [tilespmem:s17], [sflag:$0x3], $0x1C00, $0x38;
	[tilespmem:$0xD080] =	vst v63  }
.Ltmp2:
0x11c: {  	(pc) =	sbr.rel .LBB2_7-.Ltmp2, $4  }
0x11d: {  	_ = 	snop  }
0x11e: {  	_ =	swait.ge [sflag:s18], $0x1C00  }
0x11f: {  	[sflag:s18] =	ssyncset.done $0x0  }
0x120: {  	[sflag:s18] =	ssyncadd.s32 $0xFFFFE400  }
.LBB2_6:
0x121: {  	s3 =	sadd.s32 s25, s10  }
0x122: {  	s3 =	sshll.u32 s3, $0x4  }
.Ltmp3:
0x123: {  	s3 =	sadd.s32 s0, s3;
	(pc) =	sbr.rel @p0 .LBB2_8-.Ltmp3, $4  }
0x124: {  	[tilespmem:s14], [sflag:$0x1] =	stream.linear.gather [hbm4b:s3+s5], $0x1C00, $0x38;
	[tilespmem:$0xD080] =	vst v63  }
0x125: {  	_ =	swait.ge [sflag:s18], $0x1C00  }
0x126: {  	[sflag:s18] =	ssyncset.done $0x0  }
0x127: {  	[sflag:s18] =	ssyncadd.s32 $0xFFFFE400  }
.LBB2_7:
0x128: {  	_ =	swait.ge [sflag:s19], $0x1C00  }
0x129: {  	[sflag:s19] =	ssyncset.done $0x0  }
0x12a: {  	[sflag:s19] =	ssyncadd.s32 $0xFFFFE400  }
.LBB2_8:
0x12b: {  	s25 =	simm.s32 $0x0  }
0x12c: {  	v25 =	vld [tilespmem:s25+$0x7C80];
	_ =	sdelay $0x4  }
0x12d: {  	v26 =	vld [tilespmem:s25+$0x7CA0];
	v25 =	vmax.f32 v17, v25  }
0x12e: {  	v27 =	vld [tilespmem:s25+$0x7CB0];
	v25 =	vmin.f32 v7, v25  }
0x12f: {  	v28 =	vld [tilespmem:s25+$0x7C90];
	v25 =	vmul.f32 v25, v13  }
0x130: {  	v30 =	vld [tilespmem:s25+$0x7CD0]  }
0x131: {  	s26 =	simm.s32 $0x80;
	v31 =	vld [tilespmem:s25+$0x7CC0];
	v25 =	vadd.f32 $1.000000000e+00, v25  }
0x132: {  	v34 =	vld [tilespmem:s26+$0x7C80]  }
0x133: {  	v38 =	vld [tilespmem:s26+$0x7CD0];
	v25 =	vmul.f32 $5.000000000e-01, v25;
	_ =	sdelay $0x1  }
0x134: {  	v26 =	vmax.f32 v20, v26;
	v27 =	vmax.f32 v21, v27;
	v25 =	vmul.f32 $2.550000000e+02, v25  }
0x135: {  	v28 =	vmax.f32 v18, v28;
	v30 =	vmax.f32 v23, v30;
	v31 =	vmax.f32 v22, v31  }
0x136: {  	v51 =	vmax.f32 v17, v34;
	v28 =	vmin.f32 v8, v28;
	v25 =	vadd.f32 v0, v25  }
0x137: {  	v38 =	vmax.f32 v23, v38;
	v27 =	vmin.f32 v10, v27;
	v28 =	vmul.f32 v28, v14  }
0x138: {  	v26 =	vmin.f32 v9, v26;
	v27 =	vmul.f32 v27, v16;
	v29 =	vtrunc.f32 v25  }
0x139: {  	v31 =	vmin.f32 v11, v31;
	v28 =	vadd.f32 $1.000000000e+00, v28;
	v29 =	vcvt.f32.s32 v29  }
0x13a: {  	s28 =	simm.s32 $0x100;
	v26 =	vmul.f32 v26, v15;
	v31 =	vmul.f32 v31, v19;
	v27 =	vadd.f32 $1.000000000e+00, v27  }
0x13b: {  	v62 =	vld [tilespmem:s28+$0x7CA0];
	v30 =	vmin.f32 v12, v30;
	v28 =	vmul.f32 $5.000000000e-01, v28;
	v32 =	vcvt.s32.f32 v29  }
0x13c: {  	v35 =	vld [tilespmem:s26+$0x7CA0];
	v38 =	vmin.f32 v12, v38;
	v30 =	vmul.f32 v30, v24;
	v27 =	vmul.f32 $5.000000000e-01, v27  }
0x13d: {  	v38 =	vmul.f32 v38, v24;
	v28 =	vmul.f32 $2.550000000e+02, v28;
	vm0 =	vgt.f32 v25, v32  }
0x13e: {  	v40 =	vld [tilespmem:s26+$0x7C90];
	v26 =	vadd.f32 $1.000000000e+00, v26;
	v27 =	vmul.f32 $2.550000000e+02, v27;
	v33 =	vsel vm0, $0x1, v1  }
0x13f: {  	v60 =	vadd.f32 $1.000000000e+00, v38;
	v37 =	vadd.f32 v2, v28;
	v33 =	vadd.s32 v29, v33  }
0x140: {  	v38 =	vmax.f32 v20, v62;
	v28 =	vadd.f32 v4, v27;
	v27 =	vadd.f32 $1.000000000e+00, v31  }
0x141: {  	v35 =	vmax.f32 v20, v35;
	v30 =	vadd.f32 $1.000000000e+00, v30;
	v38 =	vmin.f32 v9, v38  }
0x142: {  	v26 =	vmul.f32 $5.000000000e-01, v26;
	v25 =	vsub.f32 v25, v32;
	v32 =	vmul.f32 $5.000000000e-01, v27;
	v27 =	vld [tilespmem:s26+$0x7CB0]  }
0x143: {  	v40 =	vmax.f32 v18, v40;
	v35 =	vmin.f32 v9, v35;
	v38 =	vmul.f32 v38, v15;
	v29 =	vld.idx.msk [tilespmem:v29+s5+$0x0], $0xffff  }
0x144: {  	v30 =	vmul.f32 $5.000000000e-01, v30;
	v26 =	vmul.f32 $2.550000000e+02, v26;
	v31 =	vld.idx.msk [tilespmem:v33+s5+$0x0], $0xffff;
	v33 =	vmin.f32 v7, v51  }
0x145: {  	v38 =	vadd.f32 $1.000000000e+00, v38;
	v52 =	vtrunc.f32 v37;
	v33 =	vmul.f32 v33, v13  }
0x146: {  	v35 =	vmul.f32 v35, v15;
	v26 =	vadd.f32 v3, v26;
	v34 =	vcvt.f32.s32 v52  }
0x147: {  	v30 =	vmul.f32 $2.550000000e+02, v30;
	v38 =	vmul.f32 $5.000000000e-01, v38;
	v33 =	vadd.f32 $1.000000000e+00, v33  }
0x148: {  	v36 =	vtrunc.f32 v26;
	v41 =	vcvt.s32.f32 v34;
	v27 =	vmax.f32 v21, v27  }
0x149: {  	v27 =	vmin.f32 v10, v27;
	v29 =	vsub.f32 v29, v31;
	v33 =	vmul.f32 $5.000000000e-01, v33  }
0x14a: {  	v45 =	vld [tilespmem:s28+$0x7C80];
	v39 =	vtrunc.f32 v28;
	vm5 =	vgt.f32 v37, v41;
	v27 =	vmul.f32 v27, v16  }
0x14b: {  	v53 =	vsel vm5, $0x1, v1;
	v25 =	vmul.f32 v25, v29;
	v33 =	vmul.f32 $2.550000000e+02, v33  }
0x14c: {  	v44 =	vld [tilespmem:s28+$0x7CD0];
	v27 =	vadd.f32 $1.000000000e+00, v27;
	v29 =	vadd.f32 $1.000000000e+00, v35;
	v35 =	vadd.s32 v34, v53  }
0x14d: {  	v42 =	vld [tilespmem:s26+$0x7CC0];
	v33 =	vadd.f32 v0, v33;
	v25 =	vadd.f32 v25, v31;
	v31 =	vmin.f32 v8, v40  }
0x14e: {  	v38 =	vmul.f32 $2.550000000e+02, v38;
	v31 =	vmul.f32 v31, v14  }
0x14f: {  	v52 =	vmax.f32 v17, v45;
	v27 =	vmul.f32 $5.000000000e-01, v27;
	v54 =	vtrunc.f32 v33;
	[tilespmem:s25+$0xB480] =	vst v25  }
0x150: {  	v39 =	vcvt.f32.s32 v39;
	v40 =	vcvt.f32.s32 v54;
	v34 =	vld.idx.msk [tilespmem:v34+s5+$0x0], $0xffff;
	v25 =	vadd.f32 $1.000000000e+00, v31  }
0x151: {  	v37 =	vsub.f32 v37, v41;
	v51 =	vmax.f32 v23, v44;
	v27 =	vmul.f32 $2.550000000e+02, v27;
	v35 =	vld.idx.msk [tilespmem:v35+s5+$0x0], $0xffff  }
0x152: {  	v31 =	vmax.f32 v22, v42;
	v55 =	vcvt.s32.f32 v40;
	v43 =	vmul.f32 $5.000000000e-01, v25  }
0x153: {  	v25 =	vadd.f32 v6, v30;
	v30 =	vmin.f32 v11, v31;
	v31 =	vcvt.f32.s32 v36  }
0x154: {  	v53 =	vmul.f32 $2.550000000e+02, v32;
	v27 =	vadd.f32 v4, v27;
	v29 =	vmul.f32 $5.000000000e-01, v29  }
0x155: {  	v30 =	vmul.f32 v30, v19;
	vm6 =	vgt.f32 v33, v55;
	v59 =	vcvt.s32.f32 v31  }
0x156: {  	v46 =	vld [tilespmem:s28+$0x7CB0];
	v29 =	vmul.f32 $2.550000000e+02, v29;
	v57 =	vsel vm6, $0x1, v1;
	v34 =	vsub.f32 v34, v35  }
0x157: {  	v30 =	vadd.f32 $1.000000000e+00, v30;
	v58 =	vld.idx.msk [tilespmem:v40+s5+$0x0], $0xffff;
	v40 =	vadd.s32 v40, v57;
	vm7 =	vgt.f32 v26, v59  }
0x158: {  	v29 =	vadd.f32 v3, v29;
	v34 =	vmul.f32 v37, v34;
	v61 =	vsel vm7, $0x1, v1  }
0x159: {  	v62 =	vld [tilespmem:s28+$0x7CC0];
	v56 =	vmul.f32 $2.550000000e+02, v43;
	v48 =	vmul.f32 $5.000000000e-01, v30;
	v30 =	vadd.s32 v31, v61  }
0x15a: {  	v49 =	vtrunc.f32 v27;
	v33 =	vsub.f32 v33, v55;
	v34 =	vadd.f32 v34, v35  }
0x15b: {  	v42 =	vtrunc.f32 v29;
	v36 =	vadd.f32 v2, v56;
	v26 =	vsub.f32 v26, v59  }
0x15c: {  	v42 =	vcvt.f32.s32 v42;
	v56 =	vmin.f32 v7, v52;
	v57 =	vmax.f32 v21, v46;
	v63 =	vld.idx.msk [tilespmem:v40+s5+$0x0], $0xffff;
	[tilespmem:s25+$0xB490] =	vst v34  }
0x15d: {  	v37 =	vmul.f32 $5.000000000e-01, v60;
	v32 =	vmul.f32 v56, v13;
	v44 =	vmin.f32 v10, v57;
	v31 =	vld.idx.msk [tilespmem:v31+s5+$0x0], $0xffff  }
0x15e: {  	v47 =	vtrunc.f32 v36;
	v60 =	vmul.f32 v44, v16;
	v44 =	vmax.f32 v22, v62;
	v30 =	vld.idx.msk [tilespmem:v30+s5+$0x0], $0xffff  }
0x15f: {  	v50 =	vcvt.f32.s32 v47;
	v37 =	vmul.f32 $2.550000000e+02, v37;
	v44 =	vmin.f32 v11, v44  }
0x160: {  	v32 =	vadd.f32 $1.000000000e+00, v32;
	v44 =	vmul.f32 v44, v19;
	v40 =	vtrunc.f32 v25  }
0x161: {  	v59 =	vld [tilespmem:s28+$0x7C90];
	v34 =	vmin.f32 v12, v51;
	v43 =	vsub.f32 v58, v63;
	v58 =	vcvt.s32.f32 v50  }
0x162: {  	v45 =	vadd.f32 v5, v53;
	v32 =	vmul.f32 $5.000000000e-01, v32;
	v62 =	vmul.f32 v34, v24  }
0x163: {  	v33 =	vmul.f32 v33, v43;
	vm8 =	vgt.f32 v36, v58;
	v31 =	vsub.f32 v31, v30  }
0x164: {  	v32 =	vmul.f32 $2.550000000e+02, v32;
	v43 =	vadd.f32 $1.000000000e+00, v60;
	v61 =	vsel vm8, $0x1, v1  }
0x165: {  	v33 =	vadd.f32 v33, v63;
	v35 =	vadd.s32 v50, v61;
	v26 =	vmul.f32 v26, v31  }
0x166: {  	v31 =	vmax.f32 v18, v59;
	v63 =	vadd.f32 v0, v32;
	v32 =	vadd.f32 v3, v38  }
0x167: {  	v43 =	vmul.f32 $5.000000000e-01, v43;
	v61 =	vcvt.s32.f32 v42;
	v31 =	vmin.f32 v8, v31  }
0x168: {  	v30 =	vadd.f32 v26, v30;
	v26 =	vmul.f32 v31, v14;
	v31 =	vcvt.s32.f32 v39  }
0x169: {  	v44 =	vadd.f32 $1.000000000e+00, v44;
	v54 =	vtrunc.f32 v63;
	v41 =	vtrunc.f32 v32  }
0x16a: {  	v36 =	vsub.f32 v36, v58;
	[tilespmem:s26+$0xB480] =	vst v33;
	v43 =	vmul.f32 $2.550000000e+02, v43;
	v33 =	vcvt.f32.s32 v54  }
0x16b: {  	vm11 =	vgt.f32 v29, v61;
	v46 =	vsub.f32 v29, v61;
	v55 =	vld.idx.msk [tilespmem:v50+s5+$0x0], $0xffff;
	v26 =	vadd.f32 $1.000000000e+00, v26  }
0x16c: {  	v54 =	vsel vm11, $0x1, v1;
	vm9 =	vgt.f32 v28, v31;
	v35 =	vld.idx.msk [tilespmem:v35+s5+$0x0], $0xffff;
	v56 =	vcvt.s32.f32 v33  }
0x16d: {  	s29 =	simm.s32 $0x180;
	[tilespmem:s25+$0xB4A0] =	vst v30;
	v30 =	vadd.f32 v4, v43;
	v50 =	vsel vm9, $0x1, v1;
	v26 =	vmul.f32 $5.000000000e-01, v26  }
0x16e: {  	v53 =	vld [tilespmem:s29+$0x7C80];
	v54 =	vadd.s32 v42, v54;
	v50 =	vadd.s32 v39, v50;
	vm10 =	vgt.f32 v63, v56  }
0x16f: {  	v34 =	vtrunc.f32 v30;
	v51 =	vmul.f32 $2.550000000e+02, v26;
	v58 =	vsel vm10, $0x1, v1  }
0x170: {  	v26 =	vadd.f32 v6, v37;
	v52 =	vld.idx.msk [tilespmem:v33+s5+$0x0], $0xffff;
	v59 =	vadd.s32 v33, v58;
	v33 =	vmul.f32 $5.000000000e-01, v44  }
0x171: {  	v44 =	vsub.f32 v63, v56;
	v63 =	vld [tilespmem:s29+$0x7CD0];
	v58 =	vtrunc.f32 v45;
	v57 =	vsub.f32 v55, v35  }
0x172: {  	v39 =	vld.idx.msk [tilespmem:v39+s5+$0x0], $0xffff;
	v38 =	vadd.f32 v2, v51;
	v51 =	vcvt.f32.s32 v58;
	v29 =	vtrunc.f32 v26  }
0x173: {  	v47 =	vld.idx.msk [tilespmem:v50+s5+$0x0], $0xffff;
	v50 =	vadd.f32 $1.000000000e+00, v62;
	v62 =	vmax.f32 v17, v53;
	v36 =	vmul.f32 v36, v57  }
0x174: {  	v55 =	vld [tilespmem:s29+$0x7CB0];
	v60 =	vtrunc.f32 v38;
	v56 =	vcvt.s32.f32 v51;
	v57 =	vsub.f32 v28, v31  }
0x175: {  	v50 =	vmul.f32 $5.000000000e-01, v50;
	v43 =	vcvt.f32.s32 v60;
	v36 =	vadd.f32 v36, v35  }
0x176: {  	v31 =	vld [tilespmem:s29+$0x7CA0];
	v28 =	vmax.f32 v23, v63;
	v58 =	vsub.f32 v45, v56;
	vm12 =	vgt.f32 v45, v56  }
0x177: {  	v37 =	vld.idx.msk [tilespmem:v59+s5+$0x0], $0xffff;
	v56 =	vcvt.f32.s32 v49;
	v49 =	vmin.f32 v7, v62;
	v50 =	vmul.f32 $2.550000000e+02, v50  }
0x178: {  	v35 =	vmin.f32 v12, v28;
	v28 =	vcvt.f32.s32 v40;
	v59 =	vsel vm12, $0x1, v1  }
0x179: {  	v60 =	vmax.f32 v21, v55;
	v49 =	vmul.f32 v49, v13;
	v39 =	vsub.f32 v39, v47  }
0x17a: {  	[tilespmem:s26+$0xB490] =	vst v36;
	v36 =	vmul.f32 $2.550000000e+02, v48;
	v45 =	vmin.f32 v10, v60;
	v60 =	vcvt.s32.f32 v43  }
0x17b: {  	v42 =	vld.idx.msk [tilespmem:v42+s5+$0x0], $0xffff;
	v63 =	vmax.f32 v20, v31;
	v31 =	vcvt.s32.f32 v28;
	v45 =	vmul.f32 v45, v16  }
0x17c: {  	v49 =	vadd.f32 $1.000000000e+00, v49;
	v53 =	vmin.f32 v9, v63;
	v61 =	vsub.f32 v52, v37;
	v52 =	vld.idx.msk [tilespmem:v54+s5+$0x0], $0xffff  }
0x17d: {  	v40 =	vadd.s32 v51, v59;
	v39 =	vmul.f32 v57, v39;
	v59 =	vmul.f32 v53, v15  }
0x17e: {  	vm1 =	vgt.f32 v38, v60;
	vm13 =	vgt.f32 v25, v31;
	v49 =	vmul.f32 $5.000000000e-01, v49  }
0x17f: {  	v55 =	vsel vm1, $0x1, v1;
	v44 =	vmul.f32 v44, v61;
	v61 =	vld [tilespmem:s29+$0x7C90];
	v48 =	vadd.f32 $1.000000000e+00, v59  }
0x180: {  	v45 =	vadd.f32 $1.000000000e+00, v45;
	v47 =	vadd.f32 v39, v47;
	v57 =	vmul.f32 $2.550000000e+02, v49  }
0x181: {  	v63 =	vld [tilespmem:s29+$0x7CC0];
	v62 =	vmul.f32 $5.000000000e-01, v48;
	v48 =	vadd.s32 v43, v55;
	v42 =	vsub.f32 v42, v52  }
0x182: {  	v54 =	vsub.f32 v38, v60;
	v39 =	vcvt.s32.f32 v56;
	v37 =	vadd.f32 v44, v37  }
0x183: {  	v45 =	vmul.f32 $5.000000000e-01, v45;
	[tilespmem:s25+$0xB4B0] =	vst v47;
	v42 =	vmul.f32 v46, v42;
	v46 =	vadd.f32 v0, v57  }
0x184: {  	v49 =	vcvt.f32.s32 v41;
	vm14 =	vgt.f32 v27, v39;
	v47 =	vld.idx.msk [tilespmem:v51+s5+$0x0], $0xffff;
	[tilespmem:s28+$0xB480] =	vst v37;
	v59 =	vmax.f32 v18, v61  }
0x185: {  	v53 =	vld.idx.msk [tilespmem:v43+s5+$0x0], $0xffff;
	v52 =	vadd.f32 v42, v52;
	v42 =	vmin.f32 v8, v59;
	v60 =	vtrunc.f32 v46  }
0x186: {  	v44 =	vmax.f32 v22, v63;
	v57 =	vld.idx.msk [tilespmem:v48+s5+$0x0], $0xffff;
	v61 =	vmul.f32 v42, v14;
	v55 =	vcvt.f32.s32 v60  }
0x187: {  	v40 =	vld.idx.msk [tilespmem:v40+s5+$0x0], $0xffff;
	v45 =	vmul.f32 $2.550000000e+02, v45;
	v44 =	vmin.f32 v11, v44;
	v38 =	vmul.f32 $2.550000000e+02, v62  }
0x188: {  	v37 =	vadd.f32 v5, v36;
	v62 =	vadd.f32 $1.000000000e+00, v61;
	v63 =	vcvt.s32.f32 v55  }
0x189: {  	v36 =	vadd.f32 v6, v50;
	v42 =	vadd.f32 v3, v38;
	v60 =	vsel vm14, $0x1, v1  }
0x18a: {  	v59 =	vadd.s32 v56, v60;
	v43 =	vmul.f32 $5.000000000e-01, v62;
	vm15 =	vgt.f32 v46, v63  }
0x18b: {  	v48 =	vsub.f32 v46, v63;
	v62 =	vmul.f32 v44, v19;
	v63 =	vsub.f32 v53, v57  }
0x18c: {  	v60 =	vsub.f32 v47, v40;
	v38 =	vtrunc.f32 v42;
	v61 =	vmul.f32 $2.550000000e+02, v43  }
0x18d: {  	[tilespmem:s26+$0xB4A0] =	vst v52;
	v41 =	vsel vm15, $0x1, v1;
	v46 =	vadd.f32 $1.000000000e+00, v62;
	v52 =	vmul.f32 v54, v63  }
0x18e: {  	v43 =	vadd.f32 v4, v45;
	v51 =	vld.idx.msk [tilespmem:v55+s5+$0x0], $0xffff;
	v55 =	vadd.s32 v55, v41;
	v45 =	vadd.f32 v2, v61  }
0x18f: {  	v50 =	vld.idx.msk [tilespmem:v56+s5+$0x0], $0xffff;
	v47 =	vmul.f32 $5.000000000e-01, v46;
	v54 =	vadd.f32 v52, v57;
	v52 =	vcvt.s32.f32 v49  }
0x190: {  	s30 =	simm.s32 $0x800;
	v44 =	vsel vm13, $0x1, v1;
	v41 =	vld.idx.msk [tilespmem:v59+s5+$0x0], $0xffff;
	v46 =	vmul.f32 v58, v60;
	v53 =	vtrunc.f32 v45  }
.LBB2_9:
0x191: {  	s3 =	sshra.s32 s30, $0x2;
	p0 =	sne.s32 s30, $0x6E00;
	s30 =	sadd.s32 $0x200, s30;
	v56 =	vtrunc.f32 v43;
	v35 =	vmul.f32 v35, v24;
	v44 =	vadd.s32 v28, v44  }
0x192: {  	v57 =	vld [tilespmem:s3+$0x7CD0];
	[tilespmem:s28+$0xB490] =	vst v54;
	v54 =	vsub.f32 v32, v52;
	vm0 =	vgt.f32 v32, v52;
	v52 =	vtrunc.f32 v37;
	v32 =	vmovc v42  }
0x193: {  	v42 =	vld [tilespmem:s3+$0x7C80];
	v35 =	vadd.f32 $1.000000000e+00, v35;
	v58 =	vsel vm0, $0x1, v1;
	v52 =	vcvt.f32.s32 v52  }
0x194: {  	v59 =	vtrunc.f32 v36;
	v40 =	vadd.f32 v46, v40;
	v55 =	vld.idx.msk [tilespmem:v55+s5+$0x0], $0xffff;
	v58 =	vadd.s32 v49, v58  }
0x195: {  	v39 =	vsub.f32 v27, v39;
	v27 =	vmovc v30;
	v30 =	vmovc v43;
	v60 =	vld [tilespmem:s3+$0x7CB0];
	v35 =	vmul.f32 $5.000000000e-01, v35;
	v61 =	vcvt.s32.f32 v52  }
0x196: {  	v53 =	vcvt.f32.s32 v53;
	v50 =	vsub.f32 v50, v41;
	v43 =	vld [tilespmem:s3+$0x7CA0];
	[tilespmem:s25+$0xB4C0] =	vst v40;
	v40 =	vsub.f32 v25, v31;
	v25 =	vmovc v26  }
0x197: {  	v26 =	vmovc v36;
	v31 =	vmax.f32 v23, v57;
	v57 =	vmul.f32 $2.550000000e+02, v35;
	v46 =	vsub.f32 v37, v61;
	v44 =	vld.idx.msk [tilespmem:v44+s5+$0x0], $0xffff  }
0x198: {  	vm0 =	vgt.f32 v37, v61;
	v35 =	vmin.f32 v12, v31;
	v36 =	vld.idx.msk [tilespmem:v28+s5+$0x0], $0xffff;
	v28 =	vcvt.f32.s32 v29;
	v29 =	vmovc v59  }
0x199: {  	v59 =	vcvt.f32.s32 v34;
	v31 =	vsel vm0, $0x1, v1;
	v34 =	vmovc v56;
	v37 =	vld.idx.msk [tilespmem:v49+s5+$0x0], $0xffff;
	v49 =	vmul.f32 $2.550000000e+02, v33;
	v33 =	vmovc v47  }
0x19a: {  	v51 =	vsub.f32 v51, v55;
	v47 =	vmax.f32 v21, v60;
	v56 =	vld.idx.msk [tilespmem:v58+s5+$0x0], $0xffff;
	v58 =	vadd.s32 v52, v31  }
0x19b: {  	v42 =	vmax.f32 v17, v42;
	v31 =	vcvt.s32.f32 v28;
	v43 =	vmax.f32 v20, v43  }
0x19c: {  	v42 =	vmin.f32 v7, v42;
	v48 =	vmul.f32 v48, v51;
	v43 =	vmin.f32 v9, v43  }
0x19d: {  	v42 =	vmul.f32 v42, v13;
	v47 =	vmin.f32 v10, v47;
	vm0 =	vgt.f32 v25, v31  }
0x19e: {  	v47 =	vmul.f32 v47, v16;
	v43 =	vmul.f32 v43, v15;
	v48 =	vadd.f32 v48, v55  }
0x19f: {  	v51 =	vcvt.s32.f32 v53;
	v42 =	vadd.f32 $1.000000000e+00, v42;
	v36 =	vsub.f32 v36, v44  }
0x1a0: {  	v39 =	vmul.f32 v39, v50;
	v43 =	vadd.f32 $1.000000000e+00, v43;
	v37 =	vsub.f32 v37, v56;
	v55 =	vld [tilespmem:s3+$0x7C90]  }
0x1a1: {  	v60 =	vsub.f32 v45, v51;
	vm1 =	vgt.f32 v45, v51;
	v42 =	vmul.f32 $5.000000000e-01, v42;
	v50 =	vld [tilespmem:s3+$0x7CC0]  }
0x1a2: {  	v45 =	vsel vm1, $0x1, v1;
	v43 =	vmul.f32 $5.000000000e-01, v43;
	v37 =	vmul.f32 v54, v37  }
0x1a3: {  	v47 =	vadd.f32 $1.000000000e+00, v47;
	v45 =	vadd.s32 v53, v45;
	v42 =	vmul.f32 $2.550000000e+02, v42  }
0x1a4: {  	v41 =	vadd.f32 v39, v41;
	v43 =	vmul.f32 $2.550000000e+02, v43;
	v37 =	vadd.f32 v37, v56  }
0x1a5: {  	v36 =	vmul.f32 v40, v36;
	v51 =	vadd.f32 v0, v42;
	v39 =	vmax.f32 v18, v55  }
0x1a6: {  	v40 =	vmin.f32 v8, v39;
	v50 =	vmax.f32 v22, v50;
	[tilespmem:s29+$0xB480] =	vst v48;
	v39 =	vcvt.s32.f32 v59  }
0x1a7: {  	v42 =	vadd.f32 v3, v43;
	v48 =	vtrunc.f32 v51;
	v40 =	vmul.f32 v40, v14;
	v53 =	vld.idx.msk [tilespmem:v53+s5+$0x0], $0xffff;
	[tilespmem:s28+$0xB4A0] =	vst v37  }
0x1a8: {  	v36 =	vadd.f32 v36, v44;
	v54 =	vcvt.f32.s32 v48;
	v56 =	vld.idx.msk [tilespmem:v45+s5+$0x0], $0xffff;
	vm1 =	vgt.f32 v27, v39;
	[tilespmem:s26+$0xB4B0] =	vst v41  }
0x1a9: {  	v43 =	vmul.f32 $5.000000000e-01, v47;
	v55 =	vtrunc.f32 v42;
	v41 =	vadd.f32 $1.000000000e+00, v40;
	v47 =	vld.idx.msk [tilespmem:v52+s5+$0x0], $0xffff  }
0x1aa: {  	v37 =	vadd.f32 v5, v49;
	v44 =	vcvt.s32.f32 v54;
	v45 =	vsel vm1, $0x1, v1;
	v40 =	vld.idx.msk [tilespmem:v58+s5+$0x0], $0xffff;
	[tilespmem:s25+$0xB4D0] =	vst v36;
	s25 =	smov.u32 s26;
	s26 =	smov.u32 s28;
	s28 =	smov.u32 s29  }
0x1ab: {  	v43 =	vmul.f32 $2.550000000e+02, v43;
	v36 =	vadd.f32 v6, v57;
	s29 =	smov.u32 s3;
	v41 =	vmul.f32 $5.000000000e-01, v41  }
0x1ac: {  	v49 =	vmin.f32 v11, v50;
	v57 =	vadd.s32 v59, v45;
	vm1 =	vgt.f32 v51, v44  }
0x1ad: {  	v49 =	vmul.f32 v49, v19;
	v48 =	vsub.f32 v51, v44;
	v41 =	vmul.f32 $2.550000000e+02, v41  }
.Ltmp4:
0x1ae: {  	v43 =	vadd.f32 v4, v43;
	v44 =	vsel vm0, $0x1, v1;
	v50 =	vsub.f32 v53, v56;
	v51 =	vld.idx.msk [tilespmem:v54+s5+$0x0], $0xffff;
	(pc) =	sbr.rel @p0 .LBB2_9-.Ltmp4, $4  }
0x1af: {  	v45 =	vadd.f32 v2, v41;
	v41 =	vadd.f32 $1.000000000e+00, v49;
	v49 =	vcvt.f32.s32 v38;
	v38 =	vmovc v55  }
0x1b0: {  	v52 =	vsel vm1, $0x1, v1;
	v58 =	vmul.f32 v60, v50;
	v60 =	vsub.f32 v47, v40  }
0x1b1: {  	v55 =	vadd.s32 v54, v52;
	v53 =	vtrunc.f32 v45;
	v47 =	vmul.f32 $5.000000000e-01, v41;
	v50 =	vld.idx.msk [tilespmem:v59+s5+$0x0], $0xffff  }
0x1b2: {  	v54 =	vadd.f32 v58, v56;
	v52 =	vcvt.s32.f32 v49;
	v46 =	vmul.f32 v46, v60;
	v41 =	vld.idx.msk [tilespmem:v57+s5+$0x0], $0xffff  }
0x1b3: {  	_ =	sdelay $0x3  }
0x1b4: {  	v55 =	vld.idx.msk [tilespmem:v55+s5+$0x0], $0xffff;
	_ =	sdelay $0x1  }
0x1b5: {  	v53 =	vcvt.f32.s32 v53;
	_ =	sdelay $0x1  }
0x1b6: {  	v56 =	vcvt.s32.f32 v53  }
0x1b7: {  	v51 =	vsub.f32 v51, v55  }
0x1b8: {  	vm0 =	vgt.f32 v45, v56  }
0x1b9: {  	v57 =	vsel vm0, $0x1, v1;
	v48 =	vmul.f32 v48, v51  }
0x1ba: {  	v51 =	vadd.s32 v53, v57  }
0x1bb: {  	v48 =	vadd.f32 v48, v55;
	_ =	sdelay $0x1  }
0x1bc: {  	[tilespmem:s29+$0xB480] =	vst v48  }
0x1bd: {  	v48 =	vld.idx.msk [tilespmem:v53+s5+$0x0], $0xffff  }
0x1be: {  	v51 =	vld.idx.msk [tilespmem:v51+s5+$0x0], $0xffff;
	_ =	sdelay $0x1  }
0x1bf: {  	v38 =	vcvt.f32.s32 v38  }
0x1c0: {  	vm6 =	vgt.f32 v32, v52  }
0x1c1: {  	v58 =	vsel vm6, $0x1, v1;
	v59 =	vcvt.s32.f32 v38  }
0x1c2: {  	v60 =	vsub.f32 v45, v56;
	v53 =	vadd.s32 v49, v58;
	v48 =	vsub.f32 v48, v51  }
0x1c3: {  	vm7 =	vgt.f32 v42, v59  }
0x1c4: {  	v61 =	vsel vm7, $0x1, v1;
	v45 =	vmul.f32 v60, v48  }
0x1c5: {  	[tilespmem:s28+$0xB490] =	vst v54;
	v48 =	vadd.s32 v38, v61  }
0x1c6: {  	v62 =	vld.idx.msk [tilespmem:v49+s5+$0x0], $0xffff;
	v45 =	vadd.f32 v45, v51  }
0x1c7: {  	v63 =	vld.idx.msk [tilespmem:v53+s5+$0x0], $0xffff  }
0x1c8: {  	[tilespmem:s29+$0xB490] =	vst v45  }
0x1c9: {  	v34 =	vcvt.f32.s32 v34;
	v38 =	vld.idx.msk [tilespmem:v38+s5+$0x0], $0xffff  }
0x1ca: {  	v45 =	vld.idx.msk [tilespmem:v48+s5+$0x0], $0xffff  }
0x1cb: {  	v56 =	vtrunc.f32 v43;
	v53 =	vcvt.s32.f32 v34  }
0x1cc: {  	v57 =	vsub.f32 v32, v52;
	v49 =	vsub.f32 v62, v63;
	v48 =	vcvt.f32.s32 v56  }
0x1cd: {  	vm8 =	vgt.f32 v30, v53  }
0x1ce: {  	v58 =	vsel vm8, $0x1, v1;
	v32 =	vmul.f32 v57, v49;
	v52 =	vcvt.s32.f32 v48  }
0x1cf: {  	v59 =	vsub.f32 v42, v59;
	v49 =	vadd.s32 v34, v58;
	v38 =	vsub.f32 v38, v45  }
0x1d0: {  	v32 =	vadd.f32 v32, v63;
	vm9 =	vgt.f32 v43, v52  }
0x1d1: {  	v61 =	vsel vm9, $0x1, v1;
	v38 =	vmul.f32 v59, v38  }
0x1d2: {  	v33 =	vmul.f32 $2.550000000e+02, v33;
	v60 =	vtrunc.f32 v37;
	[tilespmem:s28+$0xB4A0] =	vst v32;
	v62 =	vadd.s32 v48, v61  }
0x1d3: {  	v47 =	vmul.f32 $2.550000000e+02, v47;
	v51 =	vcvt.f32.s32 v60;
	v34 =	vld.idx.msk [tilespmem:v34+s5+$0x0], $0xffff;
	v38 =	vadd.f32 v38, v45  }
0x1d4: {  	v35 =	vmul.f32 v35, v24;
	v33 =	vadd.f32 v5, v33;
	v45 =	vld.idx.msk [tilespmem:v49+s5+$0x0], $0xffff  }
0x1d5: {  	v27 =	vsub.f32 v27, v39;
	v47 =	vadd.f32 v5, v47;
	v42 =	vcvt.s32.f32 v51;
	[tilespmem:s29+$0xB4A0] =	vst v38  }
0x1d6: {  	v35 =	vadd.f32 $1.000000000e+00, v35;
	v54 =	vtrunc.f32 v33;
	v63 =	vsub.f32 v50, v41;
	v48 =	vld.idx.msk [tilespmem:v48+s5+$0x0], $0xffff  }
0x1d7: {  	v55 =	vcvt.f32.s32 v54;
	v58 =	vtrunc.f32 v47;
	vm10 =	vgt.f32 v37, v42;
	v32 =	vld.idx.msk [tilespmem:v62+s5+$0x0], $0xffff  }
0x1d8: {  	v56 =	vsel vm10, $0x1, v1;
	v50 =	vcvt.f32.s32 v58;
	v27 =	vmul.f32 v27, v63  }
0x1d9: {  	v59 =	vsub.f32 v30, v53;
	v49 =	vcvt.s32.f32 v55;
	v34 =	vsub.f32 v34, v45  }
0x1da: {  	v35 =	vmul.f32 $5.000000000e-01, v35;
	v57 =	vadd.s32 v51, v56;
	v27 =	vadd.f32 v27, v41  }
0x1db: {  	vm11 =	vgt.f32 v33, v49;
	v30 =	vmul.f32 v59, v34;
	v34 =	vcvt.s32.f32 v50  }
0x1dc: {  	v61 =	vsub.f32 v43, v52;
	v60 =	vsel vm11, $0x1, v1;
	v62 =	vsub.f32 v48, v32  }
0x1dd: {  	v35 =	vmul.f32 $2.550000000e+02, v35;
	[tilespmem:s26+$0xB4B0] =	vst v27;
	v27 =	vadd.s32 v55, v60;
	vm12 =	vgt.f32 v47, v34  }
0x1de: {  	v63 =	vld.idx.msk [tilespmem:v51+s5+$0x0], $0xffff;
	v30 =	vadd.f32 v30, v45;
	v51 =	vsel vm12, $0x1, v1;
	v41 =	vmul.f32 v61, v62  }
0x1df: {  	v35 =	vadd.f32 v6, v35;
	v39 =	vld.idx.msk [tilespmem:v57+s5+$0x0], $0xffff;
	v52 =	vadd.s32 v50, v51  }
0x1e0: {  	[tilespmem:s28+$0xB4B0] =	vst v30;
	v32 =	vadd.f32 v41, v32  }
0x1e1: {  	v29 =	vcvt.f32.s32 v29;
	v58 =	vtrunc.f32 v35;
	v38 =	vld.idx.msk [tilespmem:v55+s5+$0x0], $0xffff  }
0x1e2: {  	v40 =	vadd.f32 v46, v40;
	v53 =	vtrunc.f32 v36;
	v60 =	vcvt.f32.s32 v58;
	v27 =	vld.idx.msk [tilespmem:v27+s5+$0x0], $0xffff;
	[tilespmem:s29+$0xB4B0] =	vst v32  }
0x1e3: {  	v54 =	vadd.s32 v28, v44;
	v43 =	vcvt.s32.f32 v29;
	v41 =	vcvt.f32.s32 v53;
	v57 =	vld.idx.msk [tilespmem:v50+s5+$0x0], $0xffff  }
0x1e4: {  	v56 =	vsub.f32 v63, v39;
	v63 =	vcvt.s32.f32 v60;
	v55 =	vsub.f32 v37, v42;
	v30 =	vld.idx.msk [tilespmem:v52+s5+$0x0], $0xffff  }
0x1e5: {  	vm13 =	vgt.f32 v26, v43;
	v33 =	vsub.f32 v33, v49;
	v46 =	vcvt.s32.f32 v41  }
0x1e6: {  	v59 =	vsel vm13, $0x1, v1;
	vm15 =	vgt.f32 v35, v63;
	v37 =	vmul.f32 v55, v56  }
0x1e7: {  	v61 =	vadd.s32 v29, v59;
	vm14 =	vgt.f32 v36, v46;
	v38 =	vsub.f32 v38, v27  }
0x1e8: {  	[tilespmem:s25+$0xB4C0] =	vst v40;
	v34 =	vsub.f32 v47, v34;
	v37 =	vadd.f32 v37, v39;
	v62 =	vsel vm14, $0x1, v1  }
0x1e9: {  	v53 =	vld.idx.msk [tilespmem:v28+s5+$0x0], $0xffff;
	v51 =	vadd.s32 v41, v62;
	v33 =	vmul.f32 v33, v38;
	v52 =	vsub.f32 v57, v30  }
0x1ea: {  	v32 =	vld.idx.msk [tilespmem:v54+s5+$0x0], $0xffff;
	v54 =	vsel vm15, $0x1, v1  }
0x1eb: {  	v56 =	vadd.s32 v60, v54;
	[tilespmem:s26+$0xB4C0] =	vst v37;
	v27 =	vadd.f32 v33, v27;
	v55 =	vmul.f32 v34, v52  }
0x1ec: {  	v37 =	vld.idx.msk [tilespmem:v61+s5+$0x0], $0xffff  }
0x1ed: {  	v29 =	vld.idx.msk [tilespmem:v29+s5+$0x0], $0xffff;
	[tilespmem:s28+$0xB4C0] =	vst v27;
	v27 =	vadd.f32 v55, v30  }
0x1ee: {  	v57 =	vld.idx.msk [tilespmem:v51+s5+$0x0], $0xffff  }
0x1ef: {  	v58 =	vld.idx.msk [tilespmem:v41+s5+$0x0], $0xffff;
	[tilespmem:s29+$0xB4C0] =	vst v27  }
0x1f0: {  	v27 =	vld.idx.msk [tilespmem:v56+s5+$0x0], $0xffff  }
0x1f1: {  	v59 =	vld.idx.msk [tilespmem:v60+s5+$0x0], $0xffff;
	_ =	sdelay $0x1  }
0x1f2: {  	v25 =	vsub.f32 v25, v31;
	v28 =	vsub.f32 v53, v32  }
0x1f3: {  	v26 =	vsub.f32 v26, v43;
	v29 =	vsub.f32 v29, v37  }
0x1f4: {  	v25 =	vmul.f32 v25, v28;
	v60 =	vsub.f32 v36, v46;
	v61 =	vsub.f32 v58, v57  }
0x1f5: {  	v62 =	vsub.f32 v35, v63;
	v26 =	vmul.f32 v26, v29;
	v63 =	vsub.f32 v59, v27  }
0x1f6: {  	s23 =	sadd.s32 $0x1, s23;
	v25 =	vadd.f32 v25, v32;
	v28 =	vmul.f32 v60, v61  }
0x1f7: {  	p0 =	sne.s32 s23, $0xE;
	v26 =	vadd.f32 v26, v37;
	v29 =	vmul.f32 v62, v63  }
.Ltmp5:
0x1f8: {  	[tilespmem:s25+$0xB4D0] =	vst v25;
	v25 =	vadd.f32 v28, v57;
	(pc) =	sbr.rel @p0 .LBB2_2-.Ltmp5, $4  }
0x1f9: {  	[tilespmem:s26+$0xB4D0] =	vst v26;
	v26 =	vadd.f32 v29, v27  }
0x1fa: {  	[tilespmem:s28+$0xB4D0] =	vst v25  }
0x1fb: {  	s3 =	sadd.s32 s4, s24;
	[tilespmem:s29+$0xB4D0] =	vst v26  }
0x1fc: {  	[hbm4b:s3+s5] =	stream.linear.scatter [tilespmem:s20], [sflag:$0x4], $0x1C00, $0x38;
	[tilespmem:$0xD080] =	vst v63  }
0x1fd: {  	s22 =	sadd.s32 $0x1, s22  }
0x1fe: {  	_ =	swait.ge [sflag:s21], $0x1C00;
	p0 =	sne.s32 s22, s11  }
.Ltmp6:
0x1ff: {  	[sflag:s21] =	ssyncset.done $0x0;
	(pc) =	sbr.rel @p0 .LBB2_1-.Ltmp6, $4  }
0x200: {  	[sflag:s21] =	ssyncadd.s32 $0xFFFFE400  }
0x201: {  	_ =	swait.ge [sflag:s19], $0x1C00  }
0x202: {  	[sflag:s19] =	ssyncset.done $0x0  }
0x203: {  	[sflag:s19] =	ssyncadd.s32 $0xFFFFE400  }
0x204: {  	_ =	sfence.sel $0x180000  }
0x205: {  	[bflag:$0x0] =	sbarrier.arrive $0xFFFF  }
0x206: {  	_ =	strace $0x90000047  }
0x207: {  	[bflag:$0x2] =	sbarrier.arrive $0xFFFF  }
0x208: {  	p0 =	sne.s32 s2, $0x0;
	s0 =	rddreg [dreg:$0x4]  }
0x209: {  	s0 =	sadd.s32 @!p0 $0x100000, s0  }
0x20a: {  	[sflag:s0] =	ssyncadd.tile.s32 @!p0 $0x1;
	_ =	shalt  }
.Lfunc_end2:
_tile_overlayer_lowered:
.L_overlay_start_2:
0x20b: {  	(tag) =	ssettag $0x2  }
0x20c: {  	s0 =	rddreg [dreg:$0x0];
	s2 =	stileid.u32  }
0x20d: {  	s1 =	rddreg [dreg:$0x1];
	p0 =	sne.s32 s2, $0x0  }
0x20e: {  	s3 =	rddreg [dreg:$0x2];
	[bflag:$0x3] =	sbarrier.arrive $0xFFFF;
	s2 =	simm.s32 @!p0 $0x1C05  }
0x20f: {  	[timem:s3], [sflag:s2] =	dma.local @!p0 [hbm:s0], s1  }
0x210: {  	s0 =	simm.s32 @!p0 $0x5  }
0x211: {  	_ =	swait.ge @!p0 [sflag:s0], s1  }
0x212: {  	s1 =	ssub.s32 @!p0 $0x0, s1;
	[sflag:s0] =	ssyncset.done @!p0 $0x0  }
0x213: {  	[sflag:s0] =	ssyncadd.s32 @!p0 s1  }
0x214: {  	[bflag:$0x3] =	sbarrier.arrive $0xFFFF  }
0x215: {  	_ =	shalt  }

</sc_bundles>
